<compile_context>
chip_gen: v7x
topology: tpu7x:2x2x1
jax: 0.10.2.dev20260603
libtpu: 0.0.44.dev20260713+nightly
codegen_flags: <defaults>
</compile_context>

<pallas_src>
import functools

import jax
import jax.numpy as jnp
from jax import lax
from jax.experimental import pallas as pl
from jax.experimental.pallas import tpu as pltpu
from jax.experimental.pallas import tpu_sc as plsc

_NC = 2
_NS = 16
_L = 16
_NW = _NC * _NS

_B = 16384
_SEQ = 200
_BW = _B // _NW
_NLCH = 24
_NLTAIL = _SEQ - 8 * _NLCH
_CHUNK_LS = [_NLCH] * 8 + [_NLTAIL]
_CHUNK_L0 = [_NLCH * g for g in range(8)] + [8 * _NLCH]
_NCHUNK = len(_CHUNK_LS)
_NV = _BW // _L

_mesh = plsc.VectorSubcoreMesh(core_axis_name="c", subcore_axis_name="s")


@functools.partial(
    pl.kernel,
    out_type=jax.ShapeDtypeStruct((3 * _SEQ, _B), jnp.float32),
    mesh=_mesh,
    scratch_types=[
        pltpu.VMEM((_L,), jnp.float32),
        pltpu.VMEM((_L,), jnp.float32),
        pltpu.VMEM((_NLCH, _BW), jnp.int32),
        pltpu.VMEM((_NLCH, _BW), jnp.int32),
        pltpu.VMEM((_NLCH, _BW), jnp.float32),
        pltpu.VMEM((_NLCH, _BW), jnp.float32),
        pltpu.VMEM((_NLCH, _BW), jnp.float32),
        pltpu.VMEM((_NLCH, _BW), jnp.float32),
        pltpu.VMEM((_NLCH, _BW), jnp.float32),
        pltpu.VMEM((_NLCH, _BW), jnp.float32),
        pltpu.SemaphoreType.DMA,
        pltpu.SemaphoreType.DMA,
        pltpu.SemaphoreType.DMA,
        pltpu.SemaphoreType.DMA,
    ],
    compiler_params=pltpu.CompilerParams(needs_layout_passes=False),
)
def _phi_sc_kernel(m_hbm, idx_hbm, out_hbm, m_v, p_v, idx_v0, idx_v1,
                   out_v00, out_v01, out_v02, out_v10, out_v11, out_v12,
                   sem_in0, sem_in1, sem_out0, sem_out1):
    wid = lax.axis_index("s") * _NC + lax.axis_index("c")
    b0 = wid * _BW

    pltpu.sync_copy(m_hbm, m_v)
    i16 = lax.iota(jnp.int32, _L)
    row = lax.min(lax.div(i16, jnp.full((_L,), 3, jnp.int32)),
                  jnp.full((_L,), 2, jnp.int32))
    r0 = row * 3
    a = plsc.load_gather(m_v, [r0])
    b = plsc.load_gather(m_v, [r0 + 1])
    c = plsc.load_gather(m_v, [r0 + 2])
    mx = lax.max(a, lax.max(b, c))
    denom = jnp.exp(a - mx) + jnp.exp(b - mx) + jnp.exp(c - mx)
    p_v[...] = jnp.exp(m_v[...] - mx) / denom

    sem_in = (sem_in0, sem_in1)
    sem_out = (sem_out0, sem_out1)
    idx_bufs = (idx_v0, idx_v1)
    out_bufs = ((out_v00, out_v01, out_v02), (out_v10, out_v11, out_v12))

    def start_in(g):
        slot = g % 2
        nl = _CHUNK_LS[g]
        dst = idx_bufs[slot]
        if nl != _NLCH:
            dst = dst.at[pl.ds(0, nl)]
        return pltpu.async_copy(
            idx_hbm.at[pl.ds(_CHUNK_L0[g], nl), pl.ds(b0, _BW)],
            dst, sem_in[slot])

    def start_out(g):
        slot = g % 2
        nl = _CHUNK_LS[g]
        cps = []
        for cc in range(3):
            src = out_bufs[slot][cc]
            if nl != _NLCH:
                src = src.at[pl.ds(0, nl)]
            cps.append(pltpu.async_copy(
                src,
                out_hbm.at[pl.ds(cc * _SEQ + _CHUNK_L0[g], nl),
                           pl.ds(b0, _BW)],
                sem_out[slot]))
        return cps

    def compute_chunk(slot, nl):
        idx_buf = idx_bufs[slot]
        ob0, ob1, ob2 = out_bufs[slot]

        @plsc.parallel_loop(0, nl * _NV, step=1, unroll=1)
        def _(i):
            l = lax.shift_right_logical(i, 5)
            off = (i & (_NV - 1)) * _L
            v = idx_buf[l, pl.ds(off, _L)]
            q0 = v * 3
            g0 = plsc.load_gather(p_v, [q0])
            g1 = plsc.load_gather(p_v, [q0 + 1])
            g2 = plsc.load_gather(p_v, [q0 + 2])
            ob0[l, pl.ds(off, _L)] = g0
            ob1[l, pl.ds(off, _L)] = g1
            ob2[l, pl.ds(off, _L)] = g2

    in_cp = [None, None]
    out_cp = [None, None]
    in_cp[0] = start_in(0)
    for g in range(_NCHUNK):
        slot = g % 2
        if g + 1 < _NCHUNK:
            in_cp[(g + 1) % 2] = start_in(g + 1)
        in_cp[slot].wait()
        if out_cp[slot] is not None:
            for cp in out_cp[slot]:
                cp.wait()
        compute_chunk(slot, _CHUNK_LS[g])
        out_cp[slot] = start_out(g)
    for slot in range(2):
        if out_cp[slot] is not None:
            for cp in out_cp[slot]:
                cp.wait()


def kernel(symbol_idx, transition_matrix):
    m_pad = jnp.pad(transition_matrix.reshape(-1), (0, _L - 9))
    out_planar = _phi_sc_kernel(m_pad, symbol_idx.T)
    return out_planar.reshape(3, _SEQ, _B).transpose(2, 1, 0)

# --- scband reference (transcript-rebuilt; emitter-appended) ---
"""Pipeline reference for scband-phi-transitions-86629490360436 (READ-ONLY COPY).

The authoritative reference and input builder live on the scoring server;
editing this copy changes nothing except your own understanding.
"""

import jax, jax.numpy as jnp
import numpy as np
from itertools import product


def _build_transition_matrix():
    syms = [b for b in product([0, 1], repeat=2) if b != (1, 1)]  # [(0,0),(0,1),(1,0)]
    n = len(syms)
    M = np.full((n, n), -np.inf, dtype=np.float32)
    for i, s1 in enumerate(syms):
        for j, s2 in enumerate(syms):
            if s1[1] == s2[0]:
                M[i, j] = 1.0
    return jnp.asarray(M)


def _softmax(x):
    m = jax.lax.stop_gradient(jnp.max(x, axis=-1, keepdims=True))
    e = jnp.exp(x - m)
    return e / jnp.sum(e, axis=-1, keepdims=True)


def setup_inputs(seed: int = 0) -> dict:
    key = jax.random.key(seed)
    symbol_idx = jax.random.randint(key, (16384, 200), 0, 3, dtype=jnp.int32)
    transition_matrix = _build_transition_matrix()
    return {"symbol_idx": symbol_idx, "transition_matrix": transition_matrix}


def reference(symbol_idx, transition_matrix):
    # gather rows of the learned transition matrix, then softmax over next-symbol logits
    logits = jnp.take(transition_matrix, symbol_idx, axis=0)  # [B, L, 3]
    probs = _softmax(logits)
    return probs

if __name__ == "__main__":
    import jax
    _d = setup_inputs()
    print(jax.jit(kernel)(*tuple(_d.values())))

</pallas_src>

<mosaic_0001>
#map = affine_map<(d0, d1) -> (0)>
#map1 = affine_map<(d0, d1) -> (0, 0)>
module attributes {stable_mosaic.version = 14 : i64} {
  func.func @_phi_sc_kernel(%arg0: i32, %arg1: i32, %arg2: memref<16xf32, #tpu.memory_space<hbm>>, %arg3: memref<200x16384xi32, #tpu.memory_space<hbm>>, %arg4: memref<600x16384xf32, #tpu.memory_space<hbm>>, %arg5: memref<16xf32, #tpu.memory_space<vmem>>, %arg6: memref<16xf32, #tpu.memory_space<vmem>>, %arg7: memref<24x512xi32, #tpu.memory_space<vmem>>, %arg8: memref<24x512xi32, #tpu.memory_space<vmem>>, %arg9: memref<24x512xf32, #tpu.memory_space<vmem>>, %arg10: memref<24x512xf32, #tpu.memory_space<vmem>>, %arg11: memref<24x512xf32, #tpu.memory_space<vmem>>, %arg12: memref<24x512xf32, #tpu.memory_space<vmem>>, %arg13: memref<24x512xf32, #tpu.memory_space<vmem>>, %arg14: memref<24x512xf32, #tpu.memory_space<vmem>>, %arg15: memref<!tpu.dma_semaphore, #tpu.memory_space<semaphore_mem>>, %arg16: memref<!tpu.dma_semaphore, #tpu.memory_space<semaphore_mem>>, %arg17: memref<!tpu.dma_semaphore, #tpu.memory_space<semaphore_mem>>, %arg18: memref<!tpu.dma_semaphore, #tpu.memory_space<semaphore_mem>>) attributes {dimension_semantics = [#tpu.dimension_semantics<core_parallel>, #tpu.dimension_semantics<subcore_parallel>], iteration_bounds = array<i64: 2, 16>, scalar_prefetch = 0 : i64, scratch_operands = 14 : i64, tpu.core_type = #tpu.core_type<sc_vector_subcore>, window_params = [{transform_indices = #map}, {transform_indices = #map1}, {transform_indices = #map1}]} {
    %mul3A = arith.constant 2 : i32
    %mul3A_0 = arith.muli %arg1, %mul3A : i32
    %add3A = arith.addi %mul3A_0, %arg0 : i32
    %mul3A_1 = arith.constant 512 : i32
    %mul3A_2 = arith.muli %add3A, %mul3A_1 : i32
    "tpu.region"() ({
      %run_scoped3A = tpu.sem_alloc : memref<!tpu.dma_semaphore, #tpu.memory_space<semaphore_mem>>
      tpu.enqueue_dma source(%arg2 : memref<16xf32, #tpu.memory_space<hbm>>) target(%arg5 : memref<16xf32, #tpu.memory_space<vmem>>) target_semaphore(%run_scoped3A : memref<!tpu.dma_semaphore, #tpu.memory_space<semaphore_mem>>)
      tpu.wait_dma2 semaphore(%run_scoped3A : memref<!tpu.dma_semaphore, #tpu.memory_space<semaphore_mem>>) src(%arg2 : memref<16xf32, #tpu.memory_space<hbm>>) dst(%arg5 : memref<16xf32, #tpu.memory_space<vmem>>)
      tpu.yield
    }) : () -> ()
    %iota3A = tpu.iota {dimensions = array<i32: 0>} : vector<16xi32>
    %broadcast_in_dim3A = arith.constant 3 : i32
    %broadcast_in_dim3A_3 = vector.broadcast %broadcast_in_dim3A : i32 to vector<16xi32>
    %div3A = arith.divsi %iota3A, %broadcast_in_dim3A_3 : vector<16xi32>
    %broadcast_in_dim3A_4 = arith.constant 2 : i32
    %broadcast_in_dim3A_5 = vector.broadcast %broadcast_in_dim3A_4 : i32 to vector<16xi32>
    %min3A = arith.minsi %div3A, %broadcast_in_dim3A_5 : vector<16xi32>
    %mul3A_6 = arith.constant 3 : i32
    %mul3A_7 = vector.broadcast %mul3A_6 : i32 to vector<16xi32>
    %mul3A_8 = arith.muli %min3A, %mul3A_7 : vector<16xi32>
    %gather3A = tpu.vector_load_idx %arg5[%mul3A_8] : memref<16xf32, #tpu.memory_space<vmem>>[vector<16xi32>], vector<16xf32>,
    %add3A_9 = arith.constant 1 : i32
    %add3A_10 = vector.broadcast %add3A_9 : i32 to vector<16xi32>
    %add3A_11 = arith.addi %mul3A_8, %add3A_10 : vector<16xi32>
    %gather3A_12 = tpu.vector_load_idx %arg5[%add3A_11] : memref<16xf32, #tpu.memory_space<vmem>>[vector<16xi32>], vector<16xf32>,
    %add3A_13 = arith.constant 2 : i32
    %add3A_14 = vector.broadcast %add3A_13 : i32 to vector<16xi32>
    %add3A_15 = arith.addi %mul3A_8, %add3A_14 : vector<16xi32>
    %gather3A_16 = tpu.vector_load_idx %arg5[%add3A_15] : memref<16xf32, #tpu.memory_space<vmem>>[vector<16xi32>], vector<16xf32>,
    %max3A = arith.maximumf %gather3A_12, %gather3A_16 : vector<16xf32>
    %max3A_17 = arith.maximumf %gather3A, %max3A : vector<16xf32>
    %sub3A = arith.subf %gather3A, %max3A_17 : vector<16xf32>
    %exp3A = math.exp %sub3A : vector<16xf32>
    %sub3A_18 = arith.subf %gather3A_12, %max3A_17 : vector<16xf32>
    %exp3A_19 = math.exp %sub3A_18 : vector<16xf32>
    %add3A_20 = arith.addf %exp3A, %exp3A_19 : vector<16xf32>
    %sub3A_21 = arith.subf %gather3A_16, %max3A_17 : vector<16xf32>
    %exp3A_22 = math.exp %sub3A_21 : vector<16xf32>
    %add3A_23 = arith.addf %add3A_20, %exp3A_22 : vector<16xf32>
    %get3A = arith.constant 0 : index
    %get3A_24 = tpu.vector_load %arg5[%get3A] {strides = array<i32>} : memref<16xf32, #tpu.memory_space<vmem>>, vector<16xf32>,
    %sub3A_25 = arith.subf %get3A_24, %max3A_17 : vector<16xf32>
    %exp3A_26 = math.exp %sub3A_25 : vector<16xf32>
    %div3A_27 = arith.divf %exp3A_26, %add3A_23 : vector<16xf32>
    %swap3A = arith.constant 0 : index
    %swap3A_28 = tpu.vector_load %arg6[%swap3A] {strides = array<i32>} : memref<16xf32, #tpu.memory_space<vmem>>, vector<16xf32>,
    tpu.vector_store %arg6[%swap3A], %div3A_27 {strides = array<i32>} : memref<16xf32, #tpu.memory_space<vmem>>, vector<16xf32>,
    %dma_start3A = arith.constant 0 : i32
    %dma_start3A_29 = tpu.memref_slice %arg3[%dma_start3A, %mul3A_2] : memref<200x16384xi32, #tpu.memory_space<hbm>> -> memref<24x512xi32, #tpu.memory_space<hbm>>
    %dma_start3A_30 = arith.constant 0 : i32
    %dma_start3A_31 = tpu.memref_slice %arg3[%dma_start3A_30, %mul3A_2] : memref<200x16384xi32, #tpu.memory_space<hbm>> -> memref<24x512xi32, #tpu.memory_space<hbm>>
    tpu.enqueue_dma source(%dma_start3A_31 : memref<24x512xi32, #tpu.memory_space<hbm>>) target(%arg7 : memref<24x512xi32, #tpu.memory_space<vmem>>) target_semaphore(%arg15 : memref<!tpu.dma_semaphore, #tpu.memory_space<semaphore_mem>>)
    %dma_start3A_32 = arith.constant 24 : i32
    %dma_start3A_33 = tpu.memref_slice %arg3[%dma_start3A_32, %mul3A_2] : memref<200x16384xi32, #tpu.memory_space<hbm>> -> memref<24x512xi32, #tpu.memory_space<hbm>>
    %dma_start3A_34 = arith.constant 24 : i32
    %dma_start3A_35 = tpu.memref_slice %arg3[%dma_start3A_34, %mul3A_2] : memref<200x16384xi32, #tpu.memory_space<hbm>> -> memref<24x512xi32, #tpu.memory_space<hbm>>
    tpu.enqueue_dma source(%dma_start3A_35 : memref<24x512xi32, #tpu.memory_space<hbm>>) target(%arg8 : memref<24x512xi32, #tpu.memory_space<vmem>>) target_semaphore(%arg16 : memref<!tpu.dma_semaphore, #tpu.memory_space<semaphore_mem>>)
    %dma_wait3A = arith.constant 0 : i32
    %dma_wait3A_36 = tpu.memref_slice %arg3[%dma_wait3A, %mul3A_2] : memref<200x16384xi32, #tpu.memory_space<hbm>> -> memref<24x512xi32, #tpu.memory_space<hbm>>
    %dma_wait3A_37 = arith.constant 0 : i32
    %dma_wait3A_38 = tpu.memref_slice %arg3[%dma_wait3A_37, %mul3A_2] : memref<200x16384xi32, #tpu.memory_space<hbm>> -> memref<24x512xi32, #tpu.memory_space<hbm>>
    tpu.wait_dma2 semaphore(%arg15 : memref<!tpu.dma_semaphore, #tpu.memory_space<semaphore_mem>>) src(%dma_wait3A_38 : memref<24x512xi32, #tpu.memory_space<hbm>>) dst(%arg7 : memref<24x512xi32, #tpu.memory_space<vmem>>)
    %parallel_loop3A = arith.constant 0 : i32
    %parallel_loop3A_39 = arith.constant 768 : i32
    %parallel_loop3A_40 = arith.constant 1 : i32
    scf.for %parallel_loop3A_389 = %parallel_loop3A to %parallel_loop3A_39 step %parallel_loop3A_40  : i32 {
      %parallel_loop3A_390 = arith.constant 5 : i32
      %parallel_loop3A_391 = arith.shrui %parallel_loop3A_389, %parallel_loop3A_390 : i32
      %parallel_loop3A_392 = arith.constant 31 : i32
      %parallel_loop3A_393 = arith.andi %parallel_loop3A_389, %parallel_loop3A_392 : i32
      %parallel_loop3A_394 = arith.constant 16 : i32
      %parallel_loop3A_395 = arith.muli %parallel_loop3A_393, %parallel_loop3A_394 : i32
      %parallel_loop3A_396 = arith.index_cast %parallel_loop3A_391 : i32 to index
      %parallel_loop3A_397 = arith.index_cast %parallel_loop3A_395 : i32 to index
      %parallel_loop3A_398 = tpu.vector_load %arg7[%parallel_loop3A_396, %parallel_loop3A_397] {strides = array<i32>} : memref<24x512xi32, #tpu.memory_space<vmem>>, vector<16xi32>,
      %parallel_loop3A_399 = arith.constant 3 : i32
      %parallel_loop3A_400 = vector.broadcast %parallel_loop3A_399 : i32 to vector<16xi32>
      %parallel_loop3A_401 = arith.muli %parallel_loop3A_398, %parallel_loop3A_400 : vector<16xi32>
      %parallel_loop3A_402 = tpu.vector_load_idx %arg6[%parallel_loop3A_401] : memref<16xf32, #tpu.memory_space<vmem>>[vector<16xi32>], vector<16xf32>,
      %parallel_loop3A_403 = arith.constant 1 : i32
      %parallel_loop3A_404 = vector.broadcast %parallel_loop3A_403 : i32 to vector<16xi32>
      %parallel_loop3A_405 = arith.addi %parallel_loop3A_401, %parallel_loop3A_404 : vector<16xi32>
      %parallel_loop3A_406 = tpu.vector_load_idx %arg6[%parallel_loop3A_405] : memref<16xf32, #tpu.memory_space<vmem>>[vector<16xi32>], vector<16xf32>,
      %parallel_loop3A_407 = arith.constant 2 : i32
      %parallel_loop3A_408 = vector.broadcast %parallel_loop3A_407 : i32 to vector<16xi32>
      %parallel_loop3A_409 = arith.addi %parallel_loop3A_401, %parallel_loop3A_408 : vector<16xi32>
      %parallel_loop3A_410 = tpu.vector_load_idx %arg6[%parallel_loop3A_409] : memref<16xf32, #tpu.memory_space<vmem>>[vector<16xi32>], vector<16xf32>,
      %parallel_loop3A_411 = arith.index_cast %parallel_loop3A_391 : i32 to index
      %parallel_loop3A_412 = arith.index_cast %parallel_loop3A_395 : i32 to index
      %parallel_loop3A_413 = tpu.vector_load %arg9[%parallel_loop3A_411, %parallel_loop3A_412] {strides = array<i32>} : memref<24x512xf32, #tpu.memory_space<vmem>>, vector<16xf32>,
      tpu.vector_store %arg9[%parallel_loop3A_411, %parallel_loop3A_412], %parallel_loop3A_402 {strides = array<i32>} : memref<24x512xf32, #tpu.memory_space<vmem>>, vector<16xf32>,
      %parallel_loop3A_414 = arith.index_cast %parallel_loop3A_391 : i32 to index
      %parallel_loop3A_415 = arith.index_cast %parallel_loop3A_395 : i32 to index
      %parallel_loop3A_416 = tpu.vector_load %arg10[%parallel_loop3A_414, %parallel_loop3A_415] {strides = array<i32>} : memref<24x512xf32, #tpu.memory_space<vmem>>, vector<16xf32>,
      tpu.vector_store %arg10[%parallel_loop3A_414, %parallel_loop3A_415], %parallel_loop3A_406 {strides = array<i32>} : memref<24x512xf32, #tpu.memory_space<vmem>>, vector<16xf32>,
      %parallel_loop3A_417 = arith.index_cast %parallel_loop3A_391 : i32 to index
      %parallel_loop3A_418 = arith.index_cast %parallel_loop3A_395 : i32 to index
      %parallel_loop3A_419 = tpu.vector_load %arg11[%parallel_loop3A_417, %parallel_loop3A_418] {strides = array<i32>} : memref<24x512xf32, #tpu.memory_space<vmem>>, vector<16xf32>,
      tpu.vector_store %arg11[%parallel_loop3A_417, %parallel_loop3A_418], %parallel_loop3A_410 {strides = array<i32>} : memref<24x512xf32, #tpu.memory_space<vmem>>, vector<16xf32>,
    } {sc.loop_unroll_factor = 1 : i64, sc.parallel_access}
    %dma_start3A_41 = arith.constant 0 : i32
    %dma_start3A_42 = tpu.memref_slice %arg4[%dma_start3A_41, %mul3A_2] : memref<600x16384xf32, #tpu.memory_space<hbm>> -> memref<24x512xf32, #tpu.memory_space<hbm>>
    %dma_start3A_43 = arith.constant 0 : i32
    %dma_start3A_44 = tpu.memref_slice %arg4[%dma_start3A_43, %mul3A_2] : memref<600x16384xf32, #tpu.memory_space<hbm>> -> memref<24x512xf32, #tpu.memory_space<hbm>>
    tpu.enqueue_dma source(%arg9 : memref<24x512xf32, #tpu.memory_space<vmem>>) target(%dma_start3A_44 : memref<24x512xf32, #tpu.memory_space<hbm>>) target_semaphore(%arg17 : memref<!tpu.dma_semaphore, #tpu.memory_space<semaphore_mem>>)
    %dma_start3A_45 = arith.constant 200 : i32
    %dma_start3A_46 = tpu.memref_slice %arg4[%dma_start3A_45, %mul3A_2] : memref<600x16384xf32, #tpu.memory_space<hbm>> -> memref<24x512xf32, #tpu.memory_space<hbm>>
    %dma_start3A_47 = arith.constant 200 : i32
    %dma_start3A_48 = tpu.memref_slice %arg4[%dma_start3A_47, %mul3A_2] : memref<600x16384xf32, #tpu.memory_space<hbm>> -> memref<24x512xf32, #tpu.memory_space<hbm>>
    tpu.enqueue_dma source(%arg10 : memref<24x512xf32, #tpu.memory_space<vmem>>) target(%dma_start3A_48 : memref<24x512xf32, #tpu.memory_space<hbm>>) target_semaphore(%arg17 : memref<!tpu.dma_semaphore, #tpu.memory_space<semaphore_mem>>)
    %dma_start3A_49 = arith.constant 400 : i32
    %dma_start3A_50 = tpu.memref_slice %arg4[%dma_start3A_49, %mul3A_2] : memref<600x16384xf32, #tpu.memory_space<hbm>> -> memref<24x512xf32, #tpu.memory_space<hbm>>
    %dma_start3A_51 = arith.constant 400 : i32
    %dma_start3A_52 = tpu.memref_slice %arg4[%dma_start3A_51, %mul3A_2] : memref<600x16384xf32, #tpu.memory_space<hbm>> -> memref<24x512xf32, #tpu.memory_space<hbm>>
    tpu.enqueue_dma source(%arg11 : memref<24x512xf32, #tpu.memory_space<vmem>>) target(%dma_start3A_52 : memref<24x512xf32, #tpu.memory_space<hbm>>) target_semaphore(%arg17 : memref<!tpu.dma_semaphore, #tpu.memory_space<semaphore_mem>>)
    %dma_start3A_53 = arith.constant 48 : i32
    %dma_start3A_54 = tpu.memref_slice %arg3[%dma_start3A_53, %mul3A_2] : memref<200x16384xi32, #tpu.memory_space<hbm>> -> memref<24x512xi32, #tpu.memory_space<hbm>>
    %dma_start3A_55 = arith.constant 48 : i32
    %dma_start3A_56 = tpu.memref_slice %arg3[%dma_start3A_55, %mul3A_2] : memref<200x16384xi32, #tpu.memory_space<hbm>> -> memref<24x512xi32, #tpu.memory_space<hbm>>
    tpu.enqueue_dma source(%dma_start3A_56 : memref<24x512xi32, #tpu.memory_space<hbm>>) target(%arg7 : memref<24x512xi32, #tpu.memory_space<vmem>>) target_semaphore(%arg15 : memref<!tpu.dma_semaphore, #tpu.memory_space<semaphore_mem>>)
    %dma_wait3A_57 = arith.constant 24 : i32
    %dma_wait3A_58 = tpu.memref_slice %arg3[%dma_wait3A_57, %mul3A_2] : memref<200x16384xi32, #tpu.memory_space<hbm>> -> memref<24x512xi32, #tpu.memory_space<hbm>>
    %dma_wait3A_59 = arith.constant 24 : i32
    %dma_wait3A_60 = tpu.memref_slice %arg3[%dma_wait3A_59, %mul3A_2] : memref<200x16384xi32, #tpu.memory_space<hbm>> -> memref<24x512xi32, #tpu.memory_space<hbm>>
    tpu.wait_dma2 semaphore(%arg16 : memref<!tpu.dma_semaphore, #tpu.memory_space<semaphore_mem>>) src(%dma_wait3A_60 : memref<24x512xi32, #tpu.memory_space<hbm>>) dst(%arg8 : memref<24x512xi32, #tpu.memory_space<vmem>>)
    %parallel_loop3A_61 = arith.constant 0 : i32
    %parallel_loop3A_62 = arith.constant 768 : i32
    %parallel_loop3A_63 = arith.constant 1 : i32
    scf.for %parallel_loop3A_389 = %parallel_loop3A_61 to %parallel_loop3A_62 step %parallel_loop3A_63  : i32 {
      %parallel_loop3A_390 = arith.constant 5 : i32
      %parallel_loop3A_391 = arith.shrui %parallel_loop3A_389, %parallel_loop3A_390 : i32
      %parallel_loop3A_392 = arith.constant 31 : i32
      %parallel_loop3A_393 = arith.andi %parallel_loop3A_389, %parallel_loop3A_392 : i32
      %parallel_loop3A_394 = arith.constant 16 : i32
      %parallel_loop3A_395 = arith.muli %parallel_loop3A_393, %parallel_loop3A_394 : i32
      %parallel_loop3A_396 = arith.index_cast %parallel_loop3A_391 : i32 to index
      %parallel_loop3A_397 = arith.index_cast %parallel_loop3A_395 : i32 to index
      %parallel_loop3A_398 = tpu.vector_load %arg8[%parallel_loop3A_396, %parallel_loop3A_397] {strides = array<i32>} : memref<24x512xi32, #tpu.memory_space<vmem>>, vector<16xi32>,
      %parallel_loop3A_399 = arith.constant 3 : i32
      %parallel_loop3A_400 = vector.broadcast %parallel_loop3A_399 : i32 to vector<16xi32>
      %parallel_loop3A_401 = arith.muli %parallel_loop3A_398, %parallel_loop3A_400 : vector<16xi32>
      %parallel_loop3A_402 = tpu.vector_load_idx %arg6[%parallel_loop3A_401] : memref<16xf32, #tpu.memory_space<vmem>>[vector<16xi32>], vector<16xf32>,
      %parallel_loop3A_403 = arith.constant 1 : i32
      %parallel_loop3A_404 = vector.broadcast %parallel_loop3A_403 : i32 to vector<16xi32>
      %parallel_loop3A_405 = arith.addi %parallel_loop3A_401, %parallel_loop3A_404 : vector<16xi32>
      %parallel_loop3A_406 = tpu.vector_load_idx %arg6[%parallel_loop3A_405] : memref<16xf32, #tpu.memory_space<vmem>>[vector<16xi32>], vector<16xf32>,
      %parallel_loop3A_407 = arith.constant 2 : i32
      %parallel_loop3A_408 = vector.broadcast %parallel_loop3A_407 : i32 to vector<16xi32>
      %parallel_loop3A_409 = arith.addi %parallel_loop3A_401, %parallel_loop3A_408 : vector<16xi32>
      %parallel_loop3A_410 = tpu.vector_load_idx %arg6[%parallel_loop3A_409] : memref<16xf32, #tpu.memory_space<vmem>>[vector<16xi32>], vector<16xf32>,
      %parallel_loop3A_411 = arith.index_cast %parallel_loop3A_391 : i32 to index
      %parallel_loop3A_412 = arith.index_cast %parallel_loop3A_395 : i32 to index
      %parallel_loop3A_413 = tpu.vector_load %arg12[%parallel_loop3A_411, %parallel_loop3A_412] {strides = array<i32>} : memref<24x512xf32, #tpu.memory_space<vmem>>, vector<16xf32>,
      tpu.vector_store %arg12[%parallel_loop3A_411, %parallel_loop3A_412], %parallel_loop3A_402 {strides = array<i32>} : memref<24x512xf32, #tpu.memory_space<vmem>>, vector<16xf32>,
      %parallel_loop3A_414 = arith.index_cast %parallel_loop3A_391 : i32 to index
      %parallel_loop3A_415 = arith.index_cast %parallel_loop3A_395 : i32 to index
      %parallel_loop3A_416 = tpu.vector_load %arg13[%parallel_loop3A_414, %parallel_loop3A_415] {strides = array<i32>} : memref<24x512xf32, #tpu.memory_space<vmem>>, vector<16xf32>,
      tpu.vector_store %arg13[%parallel_loop3A_414, %parallel_loop3A_415], %parallel_loop3A_406 {strides = array<i32>} : memref<24x512xf32, #tpu.memory_space<vmem>>, vector<16xf32>,
      %parallel_loop3A_417 = arith.index_cast %parallel_loop3A_391 : i32 to index
      %parallel_loop3A_418 = arith.index_cast %parallel_loop3A_395 : i32 to index
      %parallel_loop3A_419 = tpu.vector_load %arg14[%parallel_loop3A_417, %parallel_loop3A_418] {strides = array<i32>} : memref<24x512xf32, #tpu.memory_space<vmem>>, vector<16xf32>,
      tpu.vector_store %arg14[%parallel_loop3A_417, %parallel_loop3A_418], %parallel_loop3A_410 {strides = array<i32>} : memref<24x512xf32, #tpu.memory_space<vmem>>, vector<16xf32>,
    } {sc.loop_unroll_factor = 1 : i64, sc.parallel_access}
    %dma_start3A_64 = arith.constant 24 : i32
    %dma_start3A_65 = tpu.memref_slice %arg4[%dma_start3A_64, %mul3A_2] : memref<600x16384xf32, #tpu.memory_space<hbm>> -> memref<24x512xf32, #tpu.memory_space<hbm>>
    %dma_start3A_66 = arith.constant 24 : i32
    %dma_start3A_67 = tpu.memref_slice %arg4[%dma_start3A_66, %mul3A_2] : memref<600x16384xf32, #tpu.memory_space<hbm>> -> memref<24x512xf32, #tpu.memory_space<hbm>>
    tpu.enqueue_dma source(%arg12 : memref<24x512xf32, #tpu.memory_space<vmem>>) target(%dma_start3A_67 : memref<24x512xf32, #tpu.memory_space<hbm>>) target_semaphore(%arg18 : memref<!tpu.dma_semaphore, #tpu.memory_space<semaphore_mem>>)
    %dma_start3A_68 = arith.constant 224 : i32
    %dma_start3A_69 = tpu.memref_slice %arg4[%dma_start3A_68, %mul3A_2] : memref<600x16384xf32, #tpu.memory_space<hbm>> -> memref<24x512xf32, #tpu.memory_space<hbm>>
    %dma_start3A_70 = arith.constant 224 : i32
    %dma_start3A_71 = tpu.memref_slice %arg4[%dma_start3A_70, %mul3A_2] : memref<600x16384xf32, #tpu.memory_space<hbm>> -> memref<24x512xf32, #tpu.memory_space<hbm>>
    tpu.enqueue_dma source(%arg13 : memref<24x512xf32, #tpu.memory_space<vmem>>) target(%dma_start3A_71 : memref<24x512xf32, #tpu.memory_space<hbm>>) target_semaphore(%arg18 : memref<!tpu.dma_semaphore, #tpu.memory_space<semaphore_mem>>)
    %dma_start3A_72 = arith.constant 424 : i32
    %dma_start3A_73 = tpu.memref_slice %arg4[%dma_start3A_72, %mul3A_2] : memref<600x16384xf32, #tpu.memory_space<hbm>> -> memref<24x512xf32, #tpu.memory_space<hbm>>
    %dma_start3A_74 = arith.constant 424 : i32
    %dma_start3A_75 = tpu.memref_slice %arg4[%dma_start3A_74, %mul3A_2] : memref<600x16384xf32, #tpu.memory_space<hbm>> -> memref<24x512xf32, #tpu.memory_space<hbm>>
    tpu.enqueue_dma source(%arg14 : memref<24x512xf32, #tpu.memory_space<vmem>>) target(%dma_start3A_75 : memref<24x512xf32, #tpu.memory_space<hbm>>) target_semaphore(%arg18 : memref<!tpu.dma_semaphore, #tpu.memory_space<semaphore_mem>>)
    %dma_start3A_76 = arith.constant 72 : i32
    %dma_start3A_77 = tpu.memref_slice %arg3[%dma_start3A_76, %mul3A_2] : memref<200x16384xi32, #tpu.memory_space<hbm>> -> memref<24x512xi32, #tpu.memory_space<hbm>>
    %dma_start3A_78 = arith.constant 72 : i32
    %dma_start3A_79 = tpu.memref_slice %arg3[%dma_start3A_78, %mul3A_2] : memref<200x16384xi32, #tpu.memory_space<hbm>> -> memref<24x512xi32, #tpu.memory_space<hbm>>
    tpu.enqueue_dma source(%dma_start3A_79 : memref<24x512xi32, #tpu.memory_space<hbm>>) target(%arg8 : memref<24x512xi32, #tpu.memory_space<vmem>>) target_semaphore(%arg16 : memref<!tpu.dma_semaphore, #tpu.memory_space<semaphore_mem>>)
    %dma_wait3A_80 = arith.constant 48 : i32
    %dma_wait3A_81 = tpu.memref_slice %arg3[%dma_wait3A_80, %mul3A_2] : memref<200x16384xi32, #tpu.memory_space<hbm>> -> memref<24x512xi32, #tpu.memory_space<hbm>>
    %dma_wait3A_82 = arith.constant 48 : i32
    %dma_wait3A_83 = tpu.memref_slice %arg3[%dma_wait3A_82, %mul3A_2] : memref<200x16384xi32, #tpu.memory_space<hbm>> -> memref<24x512xi32, #tpu.memory_space<hbm>>
    tpu.wait_dma2 semaphore(%arg15 : memref<!tpu.dma_semaphore, #tpu.memory_space<semaphore_mem>>) src(%dma_wait3A_83 : memref<24x512xi32, #tpu.memory_space<hbm>>) dst(%arg7 : memref<24x512xi32, #tpu.memory_space<vmem>>)
    %dma_wait3A_84 = arith.constant 0 : i32
    %dma_wait3A_85 = tpu.memref_slice %arg4[%dma_wait3A_84, %mul3A_2] : memref<600x16384xf32, #tpu.memory_space<hbm>> -> memref<24x512xf32, #tpu.memory_space<hbm>>
    %dma_wait3A_86 = arith.constant 0 : i32
    %dma_wait3A_87 = tpu.memref_slice %arg4[%dma_wait3A_86, %mul3A_2] : memref<600x16384xf32, #tpu.memory_space<hbm>> -> memref<24x512xf32, #tpu.memory_space<hbm>>
    tpu.wait_dma2 semaphore(%arg17 : memref<!tpu.dma_semaphore, #tpu.memory_space<semaphore_mem>>) src(%arg9 : memref<24x512xf32, #tpu.memory_space<vmem>>) dst(%dma_wait3A_87 : memref<24x512xf32, #tpu.memory_space<hbm>>)
    %dma_wait3A_88 = arith.constant 200 : i32
    %dma_wait3A_89 = tpu.memref_slice %arg4[%dma_wait3A_88, %mul3A_2] : memref<600x16384xf32, #tpu.memory_space<hbm>> -> memref<24x512xf32, #tpu.memory_space<hbm>>
    %dma_wait3A_90 = arith.constant 200 : i32
    %dma_wait3A_91 = tpu.memref_slice %arg4[%dma_wait3A_90, %mul3A_2] : memref<600x16384xf32, #tpu.memory_space<hbm>> -> memref<24x512xf32, #tpu.memory_space<hbm>>
    tpu.wait_dma2 semaphore(%arg17 : memref<!tpu.dma_semaphore, #tpu.memory_space<semaphore_mem>>) src(%arg10 : memref<24x512xf32, #tpu.memory_space<vmem>>) dst(%dma_wait3A_91 : memref<24x512xf32, #tpu.memory_space<hbm>>)
    %dma_wait3A_92 = arith.constant 400 : i32
    %dma_wait3A_93 = tpu.memref_slice %arg4[%dma_wait3A_92, %mul3A_2] : memref<600x16384xf32, #tpu.memory_space<hbm>> -> memref<24x512xf32, #tpu.memory_space<hbm>>
    %dma_wait3A_94 = arith.constant 400 : i32
    %dma_wait3A_95 = tpu.memref_slice %arg4[%dma_wait3A_94, %mul3A_2] : memref<600x16384xf32, #tpu.memory_space<hbm>> -> memref<24x512xf32, #tpu.memory_space<hbm>>
    tpu.wait_dma2 semaphore(%arg17 : memref<!tpu.dma_semaphore, #tpu.memory_space<semaphore_mem>>) src(%arg11 : memref<24x512xf32, #tpu.memory_space<vmem>>) dst(%dma_wait3A_95 : memref<24x512xf32, #tpu.memory_space<hbm>>)
    %parallel_loop3A_96 = arith.constant 0 : i32
    %parallel_loop3A_97 = arith.constant 768 : i32
    %parallel_loop3A_98 = arith.constant 1 : i32
    scf.for %parallel_loop3A_389 = %parallel_loop3A_96 to %parallel_loop3A_97 step %parallel_loop3A_98  : i32 {
      %parallel_loop3A_390 = arith.constant 5 : i32
      %parallel_loop3A_391 = arith.shrui %parallel_loop3A_389, %parallel_loop3A_390 : i32
      %parallel_loop3A_392 = arith.constant 31 : i32
      %parallel_loop3A_393 = arith.andi %parallel_loop3A_389, %parallel_loop3A_392 : i32
      %parallel_loop3A_394 = arith.constant 16 : i32
      %parallel_loop3A_395 = arith.muli %parallel_loop3A_393, %parallel_loop3A_394 : i32
      %parallel_loop3A_396 = arith.index_cast %parallel_loop3A_391 : i32 to index
      %parallel_loop3A_397 = arith.index_cast %parallel_loop3A_395 : i32 to index
      %parallel_loop3A_398 = tpu.vector_load %arg7[%parallel_loop3A_396, %parallel_loop3A_397] {strides = array<i32>} : memref<24x512xi32, #tpu.memory_space<vmem>>, vector<16xi32>,
      %parallel_loop3A_399 = arith.constant 3 : i32
      %parallel_loop3A_400 = vector.broadcast %parallel_loop3A_399 : i32 to vector<16xi32>
      %parallel_loop3A_401 = arith.muli %parallel_loop3A_398, %parallel_loop3A_400 : vector<16xi32>
      %parallel_loop3A_402 = tpu.vector_load_idx %arg6[%parallel_loop3A_401] : memref<16xf32, #tpu.memory_space<vmem>>[vector<16xi32>], vector<16xf32>,
      %parallel_loop3A_403 = arith.constant 1 : i32
      %parallel_loop3A_404 = vector.broadcast %parallel_loop3A_403 : i32 to vector<16xi32>
      %parallel_loop3A_405 = arith.addi %parallel_loop3A_401, %parallel_loop3A_404 : vector<16xi32>
      %parallel_loop3A_406 = tpu.vector_load_idx %arg6[%parallel_loop3A_405] : memref<16xf32, #tpu.memory_space<vmem>>[vector<16xi32>], vector<16xf32>,
      %parallel_loop3A_407 = arith.constant 2 : i32
      %parallel_loop3A_408 = vector.broadcast %parallel_loop3A_407 : i32 to vector<16xi32>
      %parallel_loop3A_409 = arith.addi %parallel_loop3A_401, %parallel_loop3A_408 : vector<16xi32>
      %parallel_loop3A_410 = tpu.vector_load_idx %arg6[%parallel_loop3A_409] : memref<16xf32, #tpu.memory_space<vmem>>[vector<16xi32>], vector<16xf32>,
      %parallel_loop3A_411 = arith.index_cast %parallel_loop3A_391 : i32 to index
      %parallel_loop3A_412 = arith.index_cast %parallel_loop3A_395 : i32 to index
      %parallel_loop3A_413 = tpu.vector_load %arg9[%parallel_loop3A_411, %parallel_loop3A_412] {strides = array<i32>} : memref<24x512xf32, #tpu.memory_space<vmem>>, vector<16xf32>,
      tpu.vector_store %arg9[%parallel_loop3A_411, %parallel_loop3A_412], %parallel_loop3A_402 {strides = array<i32>} : memref<24x512xf32, #tpu.memory_space<vmem>>, vector<16xf32>,
      %parallel_loop3A_414 = arith.index_cast %parallel_loop3A_391 : i32 to index
      %parallel_loop3A_415 = arith.index_cast %parallel_loop3A_395 : i32 to index
      %parallel_loop3A_416 = tpu.vector_load %arg10[%parallel_loop3A_414, %parallel_loop3A_415] {strides = array<i32>} : memref<24x512xf32, #tpu.memory_space<vmem>>, vector<16xf32>,
      tpu.vector_store %arg10[%parallel_loop3A_414, %parallel_loop3A_415], %parallel_loop3A_406 {strides = array<i32>} : memref<24x512xf32, #tpu.memory_space<vmem>>, vector<16xf32>,
      %parallel_loop3A_417 = arith.index_cast %parallel_loop3A_391 : i32 to index
      %parallel_loop3A_418 = arith.index_cast %parallel_loop3A_395 : i32 to index
      %parallel_loop3A_419 = tpu.vector_load %arg11[%parallel_loop3A_417, %parallel_loop3A_418] {strides = array<i32>} : memref<24x512xf32, #tpu.memory_space<vmem>>, vector<16xf32>,
      tpu.vector_store %arg11[%parallel_loop3A_417, %parallel_loop3A_418], %parallel_loop3A_410 {strides = array<i32>} : memref<24x512xf32, #tpu.memory_space<vmem>>, vector<16xf32>,
    } {sc.loop_unroll_factor = 1 : i64, sc.parallel_access}
    %dma_start3A_99 = arith.constant 48 : i32
    %dma_start3A_100 = tpu.memref_slice %arg4[%dma_start3A_99, %mul3A_2] : memref<600x16384xf32, #tpu.memory_space<hbm>> -> memref<24x512xf32, #tpu.memory_space<hbm>>
    %dma_start3A_101 = arith.constant 48 : i32
    %dma_start3A_102 = tpu.memref_slice %arg4[%dma_start3A_101, %mul3A_2] : memref<600x16384xf32, #tpu.memory_space<hbm>> -> memref<24x512xf32, #tpu.memory_space<hbm>>
    tpu.enqueue_dma source(%arg9 : memref<24x512xf32, #tpu.memory_space<vmem>>) target(%dma_start3A_102 : memref<24x512xf32, #tpu.memory_space<hbm>>) target_semaphore(%arg17 : memref<!tpu.dma_semaphore, #tpu.memory_space<semaphore_mem>>)
    %dma_start3A_103 = arith.constant 248 : i32
    %dma_start3A_104 = tpu.memref_slice %arg4[%dma_start3A_103, %mul3A_2] : memref<600x16384xf32, #tpu.memory_space<hbm>> -> memref<24x512xf32, #tpu.memory_space<hbm>>
    %dma_start3A_105 = arith.constant 248 : i32
    %dma_start3A_106 = tpu.memref_slice %arg4[%dma_start3A_105, %mul3A_2] : memref<600x16384xf32, #tpu.memory_space<hbm>> -> memref<24x512xf32, #tpu.memory_space<hbm>>
    tpu.enqueue_dma source(%arg10 : memref<24x512xf32, #tpu.memory_space<vmem>>) target(%dma_start3A_106 : memref<24x512xf32, #tpu.memory_space<hbm>>) target_semaphore(%arg17 : memref<!tpu.dma_semaphore, #tpu.memory_space<semaphore_mem>>)
    %dma_start3A_107 = arith.constant 448 : i32
    %dma_start3A_108 = tpu.memref_slice %arg4[%dma_start3A_107, %mul3A_2] : memref<600x16384xf32, #tpu.memory_space<hbm>> -> memref<24x512xf32, #tpu.memory_space<hbm>>
    %dma_start3A_109 = arith.constant 448 : i32
    %dma_start3A_110 = tpu.memref_slice %arg4[%dma_start3A_109, %mul3A_2] : memref<600x16384xf32, #tpu.memory_space<hbm>> -> memref<24x512xf32, #tpu.memory_space<hbm>>
    tpu.enqueue_dma source(%arg11 : memref<24x512xf32, #tpu.memory_space<vmem>>) target(%dma_start3A_110 : memref<24x512xf32, #tpu.memory_space<hbm>>) target_semaphore(%arg17 : memref<!tpu.dma_semaphore, #tpu.memory_space<semaphore_mem>>)
    %dma_start3A_111 = arith.constant 96 : i32
    %dma_start3A_112 = tpu.memref_slice %arg3[%dma_start3A_111, %mul3A_2] : memref<200x16384xi32, #tpu.memory_space<hbm>> -> memref<24x512xi32, #tpu.memory_space<hbm>>
    %dma_start3A_113 = arith.constant 96 : i32
    %dma_start3A_114 = tpu.memref_slice %arg3[%dma_start3A_113, %mul3A_2] : memref<200x16384xi32, #tpu.memory_space<hbm>> -> memref<24x512xi32, #tpu.memory_space<hbm>>
    tpu.enqueue_dma source(%dma_start3A_114 : memref<24x512xi32, #tpu.memory_space<hbm>>) target(%arg7 : memref<24x512xi32, #tpu.memory_space<vmem>>) target_semaphore(%arg15 : memref<!tpu.dma_semaphore, #tpu.memory_space<semaphore_mem>>)
    %dma_wait3A_115 = arith.constant 72 : i32
    %dma_wait3A_116 = tpu.memref_slice %arg3[%dma_wait3A_115, %mul3A_2] : memref<200x16384xi32, #tpu.memory_space<hbm>> -> memref<24x512xi32, #tpu.memory_space<hbm>>
    %dma_wait3A_117 = arith.constant 72 : i32
    %dma_wait3A_118 = tpu.memref_slice %arg3[%dma_wait3A_117, %mul3A_2] : memref<200x16384xi32, #tpu.memory_space<hbm>> -> memref<24x512xi32, #tpu.memory_space<hbm>>
    tpu.wait_dma2 semaphore(%arg16 : memref<!tpu.dma_semaphore, #tpu.memory_space<semaphore_mem>>) src(%dma_wait3A_118 : memref<24x512xi32, #tpu.memory_space<hbm>>) dst(%arg8 : memref<24x512xi32, #tpu.memory_space<vmem>>)
    %dma_wait3A_119 = arith.constant 24 : i32
    %dma_wait3A_120 = tpu.memref_slice %arg4[%dma_wait3A_119, %mul3A_2] : memref<600x16384xf32, #tpu.memory_space<hbm>> -> memref<24x512xf32, #tpu.memory_space<hbm>>
    %dma_wait3A_121 = arith.constant 24 : i32
    %dma_wait3A_122 = tpu.memref_slice %arg4[%dma_wait3A_121, %mul3A_2] : memref<600x16384xf32, #tpu.memory_space<hbm>> -> memref<24x512xf32, #tpu.memory_space<hbm>>
    tpu.wait_dma2 semaphore(%arg18 : memref<!tpu.dma_semaphore, #tpu.memory_space<semaphore_mem>>) src(%arg12 : memref<24x512xf32, #tpu.memory_space<vmem>>) dst(%dma_wait3A_122 : memref<24x512xf32, #tpu.memory_space<hbm>>)
    %dma_wait3A_123 = arith.constant 224 : i32
    %dma_wait3A_124 = tpu.memref_slice %arg4[%dma_wait3A_123, %mul3A_2] : memref<600x16384xf32, #tpu.memory_space<hbm>> -> memref<24x512xf32, #tpu.memory_space<hbm>>
    %dma_wait3A_125 = arith.constant 224 : i32
    %dma_wait3A_126 = tpu.memref_slice %arg4[%dma_wait3A_125, %mul3A_2] : memref<600x16384xf32, #tpu.memory_space<hbm>> -> memref<24x512xf32, #tpu.memory_space<hbm>>
    tpu.wait_dma2 semaphore(%arg18 : memref<!tpu.dma_semaphore, #tpu.memory_space<semaphore_mem>>) src(%arg13 : memref<24x512xf32, #tpu.memory_space<vmem>>) dst(%dma_wait3A_126 : memref<24x512xf32, #tpu.memory_space<hbm>>)
    %dma_wait3A_127 = arith.constant 424 : i32
    %dma_wait3A_128 = tpu.memref_slice %arg4[%dma_wait3A_127, %mul3A_2] : memref<600x16384xf32, #tpu.memory_space<hbm>> -> memref<24x512xf32, #tpu.memory_space<hbm>>
    %dma_wait3A_129 = arith.constant 424 : i32
    %dma_wait3A_130 = tpu.memref_slice %arg4[%dma_wait3A_129, %mul3A_2] : memref<600x16384xf32, #tpu.memory_space<hbm>> -> memref<24x512xf32, #tpu.memory_space<hbm>>
    tpu.wait_dma2 semaphore(%arg18 : memref<!tpu.dma_semaphore, #tpu.memory_space<semaphore_mem>>) src(%arg14 : memref<24x512xf32, #tpu.memory_space<vmem>>) dst(%dma_wait3A_130 : memref<24x512xf32, #tpu.memory_space<hbm>>)
    %parallel_loop3A_131 = arith.constant 0 : i32
    %parallel_loop3A_132 = arith.constant 768 : i32
    %parallel_loop3A_133 = arith.constant 1 : i32
    scf.for %parallel_loop3A_389 = %parallel_loop3A_131 to %parallel_loop3A_132 step %parallel_loop3A_133  : i32 {
      %parallel_loop3A_390 = arith.constant 5 : i32
      %parallel_loop3A_391 = arith.shrui %parallel_loop3A_389, %parallel_loop3A_390 : i32
      %parallel_loop3A_392 = arith.constant 31 : i32
      %parallel_loop3A_393 = arith.andi %parallel_loop3A_389, %parallel_loop3A_392 : i32
      %parallel_loop3A_394 = arith.constant 16 : i32
      %parallel_loop3A_395 = arith.muli %parallel_loop3A_393, %parallel_loop3A_394 : i32
      %parallel_loop3A_396 = arith.index_cast %parallel_loop3A_391 : i32 to index
      %parallel_loop3A_397 = arith.index_cast %parallel_loop3A_395 : i32 to index
      %parallel_loop3A_398 = tpu.vector_load %arg8[%parallel_loop3A_396, %parallel_loop3A_397] {strides = array<i32>} : memref<24x512xi32, #tpu.memory_space<vmem>>, vector<16xi32>,
      %parallel_loop3A_399 = arith.constant 3 : i32
      %parallel_loop3A_400 = vector.broadcast %parallel_loop3A_399 : i32 to vector<16xi32>
      %parallel_loop3A_401 = arith.muli %parallel_loop3A_398, %parallel_loop3A_400 : vector<16xi32>
      %parallel_loop3A_402 = tpu.vector_load_idx %arg6[%parallel_loop3A_401] : memref<16xf32, #tpu.memory_space<vmem>>[vector<16xi32>], vector<16xf32>,
      %parallel_loop3A_403 = arith.constant 1 : i32
      %parallel_loop3A_404 = vector.broadcast %parallel_loop3A_403 : i32 to vector<16xi32>
      %parallel_loop3A_405 = arith.addi %parallel_loop3A_401, %parallel_loop3A_404 : vector<16xi32>
      %parallel_loop3A_406 = tpu.vector_load_idx %arg6[%parallel_loop3A_405] : memref<16xf32, #tpu.memory_space<vmem>>[vector<16xi32>], vector<16xf32>,
      %parallel_loop3A_407 = arith.constant 2 : i32
      %parallel_loop3A_408 = vector.broadcast %parallel_loop3A_407 : i32 to vector<16xi32>
      %parallel_loop3A_409 = arith.addi %parallel_loop3A_401, %parallel_loop3A_408 : vector<16xi32>
      %parallel_loop3A_410 = tpu.vector_load_idx %arg6[%parallel_loop3A_409] : memref<16xf32, #tpu.memory_space<vmem>>[vector<16xi32>], vector<16xf32>,
      %parallel_loop3A_411 = arith.index_cast %parallel_loop3A_391 : i32 to index
      %parallel_loop3A_412 = arith.index_cast %parallel_loop3A_395 : i32 to index
      %parallel_loop3A_413 = tpu.vector_load %arg12[%parallel_loop3A_411, %parallel_loop3A_412] {strides = array<i32>} : memref<24x512xf32, #tpu.memory_space<vmem>>, vector<16xf32>,
      tpu.vector_store %arg12[%parallel_loop3A_411, %parallel_loop3A_412], %parallel_loop3A_402 {strides = array<i32>} : memref<24x512xf32, #tpu.memory_space<vmem>>, vector<16xf32>,
      %parallel_loop3A_414 = arith.index_cast %parallel_loop3A_391 : i32 to index
      %parallel_loop3A_415 = arith.index_cast %parallel_loop3A_395 : i32 to index
      %parallel_loop3A_416 = tpu.vector_load %arg13[%parallel_loop3A_414, %parallel_loop3A_415] {strides = array<i32>} : memref<24x512xf32, #tpu.memory_space<vmem>>, vector<16xf32>,
      tpu.vector_store %arg13[%parallel_loop3A_414, %parallel_loop3A_415], %parallel_loop3A_406 {strides = array<i32>} : memref<24x512xf32, #tpu.memory_space<vmem>>, vector<16xf32>,
      %parallel_loop3A_417 = arith.index_cast %parallel_loop3A_391 : i32 to index
      %parallel_loop3A_418 = arith.index_cast %parallel_loop3A_395 : i32 to index
      %parallel_loop3A_419 = tpu.vector_load %arg14[%parallel_loop3A_417, %parallel_loop3A_418] {strides = array<i32>} : memref<24x512xf32, #tpu.memory_space<vmem>>, vector<16xf32>,
      tpu.vector_store %arg14[%parallel_loop3A_417, %parallel_loop3A_418], %parallel_loop3A_410 {strides = array<i32>} : memref<24x512xf32, #tpu.memory_space<vmem>>, vector<16xf32>,
    } {sc.loop_unroll_factor = 1 : i64, sc.parallel_access}
    %dma_start3A_134 = arith.constant 72 : i32
    %dma_start3A_135 = tpu.memref_slice %arg4[%dma_start3A_134, %mul3A_2] : memref<600x16384xf32, #tpu.memory_space<hbm>> -> memref<24x512xf32, #tpu.memory_space<hbm>>
    %dma_start3A_136 = arith.constant 72 : i32
    %dma_start3A_137 = tpu.memref_slice %arg4[%dma_start3A_136, %mul3A_2] : memref<600x16384xf32, #tpu.memory_space<hbm>> -> memref<24x512xf32, #tpu.memory_space<hbm>>
    tpu.enqueue_dma source(%arg12 : memref<24x512xf32, #tpu.memory_space<vmem>>) target(%dma_start3A_137 : memref<24x512xf32, #tpu.memory_space<hbm>>) target_semaphore(%arg18 : memref<!tpu.dma_semaphore, #tpu.memory_space<semaphore_mem>>)
    %dma_start3A_138 = arith.constant 272 : i32
    %dma_start3A_139 = tpu.memref_slice %arg4[%dma_start3A_138, %mul3A_2] : memref<600x16384xf32, #tpu.memory_space<hbm>> -> memref<24x512xf32, #tpu.memory_space<hbm>>
    %dma_start3A_140 = arith.constant 272 : i32
    %dma_start3A_141 = tpu.memref_slice %arg4[%dma_start3A_140, %mul3A_2] : memref<600x16384xf32, #tpu.memory_space<hbm>> -> memref<24x512xf32, #tpu.memory_space<hbm>>
    tpu.enqueue_dma source(%arg13 : memref<24x512xf32, #tpu.memory_space<vmem>>) target(%dma_start3A_141 : memref<24x512xf32, #tpu.memory_space<hbm>>) target_semaphore(%arg18 : memref<!tpu.dma_semaphore, #tpu.memory_space<semaphore_mem>>)
    %dma_start3A_142 = arith.constant 472 : i32
    %dma_start3A_143 = tpu.memref_slice %arg4[%dma_start3A_142, %mul3A_2] : memref<600x16384xf32, #tpu.memory_space<hbm>> -> memref<24x512xf32, #tpu.memory_space<hbm>>
    %dma_start3A_144 = arith.constant 472 : i32
    %dma_start3A_145 = tpu.memref_slice %arg4[%dma_start3A_144, %mul3A_2] : memref<600x16384xf32, #tpu.memory_space<hbm>> -> memref<24x512xf32, #tpu.memory_space<hbm>>
    tpu.enqueue_dma source(%arg14 : memref<24x512xf32, #tpu.memory_space<vmem>>) target(%dma_start3A_145 : memref<24x512xf32, #tpu.memory_space<hbm>>) target_semaphore(%arg18 : memref<!tpu.dma_semaphore, #tpu.memory_space<semaphore_mem>>)
    %dma_start3A_146 = arith.constant 120 : i32
    %dma_start3A_147 = tpu.memref_slice %arg3[%dma_start3A_146, %mul3A_2] : memref<200x16384xi32, #tpu.memory_space<hbm>> -> memref<24x512xi32, #tpu.memory_space<hbm>>
    %dma_start3A_148 = arith.constant 120 : i32
    %dma_start3A_149 = tpu.memref_slice %arg3[%dma_start3A_148, %mul3A_2] : memref<200x16384xi32, #tpu.memory_space<hbm>> -> memref<24x512xi32, #tpu.memory_space<hbm>>
    tpu.enqueue_dma source(%dma_start3A_149 : memref<24x512xi32, #tpu.memory_space<hbm>>) target(%arg8 : memref<24x512xi32, #tpu.memory_space<vmem>>) target_semaphore(%arg16 : memref<!tpu.dma_semaphore, #tpu.memory_space<semaphore_mem>>)
    %dma_wait3A_150 = arith.constant 96 : i32
    %dma_wait3A_151 = tpu.memref_slice %arg3[%dma_wait3A_150, %mul3A_2] : memref<200x16384xi32, #tpu.memory_space<hbm>> -> memref<24x512xi32, #tpu.memory_space<hbm>>
    %dma_wait3A_152 = arith.constant 96 : i32
    %dma_wait3A_153 = tpu.memref_slice %arg3[%dma_wait3A_152, %mul3A_2] : memref<200x16384xi32, #tpu.memory_space<hbm>> -> memref<24x512xi32, #tpu.memory_space<hbm>>
    tpu.wait_dma2 semaphore(%arg15 : memref<!tpu.dma_semaphore, #tpu.memory_space<semaphore_mem>>) src(%dma_wait3A_153 : memref<24x512xi32, #tpu.memory_space<hbm>>) dst(%arg7 : memref<24x512xi32, #tpu.memory_space<vmem>>)
    %dma_wait3A_154 = arith.constant 48 : i32
    %dma_wait3A_155 = tpu.memref_slice %arg4[%dma_wait3A_154, %mul3A_2] : memref<600x16384xf32, #tpu.memory_space<hbm>> -> memref<24x512xf32, #tpu.memory_space<hbm>>
    %dma_wait3A_156 = arith.constant 48 : i32
    %dma_wait3A_157 = tpu.memref_slice %arg4[%dma_wait3A_156, %mul3A_2] : memref<600x16384xf32, #tpu.memory_space<hbm>> -> memref<24x512xf32, #tpu.memory_space<hbm>>
    tpu.wait_dma2 semaphore(%arg17 : memref<!tpu.dma_semaphore, #tpu.memory_space<semaphore_mem>>) src(%arg9 : memref<24x512xf32, #tpu.memory_space<vmem>>) dst(%dma_wait3A_157 : memref<24x512xf32, #tpu.memory_space<hbm>>)
    %dma_wait3A_158 = arith.constant 248 : i32
    %dma_wait3A_159 = tpu.memref_slice %arg4[%dma_wait3A_158, %mul3A_2] : memref<600x16384xf32, #tpu.memory_space<hbm>> -> memref<24x512xf32, #tpu.memory_space<hbm>>
    %dma_wait3A_160 = arith.constant 248 : i32
    %dma_wait3A_161 = tpu.memref_slice %arg4[%dma_wait3A_160, %mul3A_2] : memref<600x16384xf32, #tpu.memory_space<hbm>> -> memref<24x512xf32, #tpu.memory_space<hbm>>
    tpu.wait_dma2 semaphore(%arg17 : memref<!tpu.dma_semaphore, #tpu.memory_space<semaphore_mem>>) src(%arg10 : memref<24x512xf32, #tpu.memory_space<vmem>>) dst(%dma_wait3A_161 : memref<24x512xf32, #tpu.memory_space<hbm>>)
    %dma_wait3A_162 = arith.constant 448 : i32
    %dma_wait3A_163 = tpu.memref_slice %arg4[%dma_wait3A_162, %mul3A_2] : memref<600x16384xf32, #tpu.memory_space<hbm>> -> memref<24x512xf32, #tpu.memory_space<hbm>>
    %dma_wait3A_164 = arith.constant 448 : i32
    %dma_wait3A_165 = tpu.memref_slice %arg4[%dma_wait3A_164, %mul3A_2] : memref<600x16384xf32, #tpu.memory_space<hbm>> -> memref<24x512xf32, #tpu.memory_space<hbm>>
    tpu.wait_dma2 semaphore(%arg17 : memref<!tpu.dma_semaphore, #tpu.memory_space<semaphore_mem>>) src(%arg11 : memref<24x512xf32, #tpu.memory_space<vmem>>) dst(%dma_wait3A_165 : memref<24x512xf32, #tpu.memory_space<hbm>>)
    %parallel_loop3A_166 = arith.constant 0 : i32
    %parallel_loop3A_167 = arith.constant 768 : i32
    %parallel_loop3A_168 = arith.constant 1 : i32
    scf.for %parallel_loop3A_389 = %parallel_loop3A_166 to %parallel_loop3A_167 step %parallel_loop3A_168  : i32 {
      %parallel_loop3A_390 = arith.constant 5 : i32
      %parallel_loop3A_391 = arith.shrui %parallel_loop3A_389, %parallel_loop3A_390 : i32
      %parallel_loop3A_392 = arith.constant 31 : i32
      %parallel_loop3A_393 = arith.andi %parallel_loop3A_389, %parallel_loop3A_392 : i32
      %parallel_loop3A_394 = arith.constant 16 : i32
      %parallel_loop3A_395 = arith.muli %parallel_loop3A_393, %parallel_loop3A_394 : i32
      %parallel_loop3A_396 = arith.index_cast %parallel_loop3A_391 : i32 to index
      %parallel_loop3A_397 = arith.index_cast %parallel_loop3A_395 : i32 to index
      %parallel_loop3A_398 = tpu.vector_load %arg7[%parallel_loop3A_396, %parallel_loop3A_397] {strides = array<i32>} : memref<24x512xi32, #tpu.memory_space<vmem>>, vector<16xi32>,
      %parallel_loop3A_399 = arith.constant 3 : i32
      %parallel_loop3A_400 = vector.broadcast %parallel_loop3A_399 : i32 to vector<16xi32>
      %parallel_loop3A_401 = arith.muli %parallel_loop3A_398, %parallel_loop3A_400 : vector<16xi32>
      %parallel_loop3A_402 = tpu.vector_load_idx %arg6[%parallel_loop3A_401] : memref<16xf32, #tpu.memory_space<vmem>>[vector<16xi32>], vector<16xf32>,
      %parallel_loop3A_403 = arith.constant 1 : i32
      %parallel_loop3A_404 = vector.broadcast %parallel_loop3A_403 : i32 to vector<16xi32>
      %parallel_loop3A_405 = arith.addi %parallel_loop3A_401, %parallel_loop3A_404 : vector<16xi32>
      %parallel_loop3A_406 = tpu.vector_load_idx %arg6[%parallel_loop3A_405] : memref<16xf32, #tpu.memory_space<vmem>>[vector<16xi32>], vector<16xf32>,
      %parallel_loop3A_407 = arith.constant 2 : i32
      %parallel_loop3A_408 = vector.broadcast %parallel_loop3A_407 : i32 to vector<16xi32>
      %parallel_loop3A_409 = arith.addi %parallel_loop3A_401, %parallel_loop3A_408 : vector<16xi32>
      %parallel_loop3A_410 = tpu.vector_load_idx %arg6[%parallel_loop3A_409] : memref<16xf32, #tpu.memory_space<vmem>>[vector<16xi32>], vector<16xf32>,
      %parallel_loop3A_411 = arith.index_cast %parallel_loop3A_391 : i32 to index
      %parallel_loop3A_412 = arith.index_cast %parallel_loop3A_395 : i32 to index
      %parallel_loop3A_413 = tpu.vector_load %arg9[%parallel_loop3A_411, %parallel_loop3A_412] {strides = array<i32>} : memref<24x512xf32, #tpu.memory_space<vmem>>, vector<16xf32>,
      tpu.vector_store %arg9[%parallel_loop3A_411, %parallel_loop3A_412], %parallel_loop3A_402 {strides = array<i32>} : memref<24x512xf32, #tpu.memory_space<vmem>>, vector<16xf32>,
      %parallel_loop3A_414 = arith.index_cast %parallel_loop3A_391 : i32 to index
      %parallel_loop3A_415 = arith.index_cast %parallel_loop3A_395 : i32 to index
      %parallel_loop3A_416 = tpu.vector_load %arg10[%parallel_loop3A_414, %parallel_loop3A_415] {strides = array<i32>} : memref<24x512xf32, #tpu.memory_space<vmem>>, vector<16xf32>,
      tpu.vector_store %arg10[%parallel_loop3A_414, %parallel_loop3A_415], %parallel_loop3A_406 {strides = array<i32>} : memref<24x512xf32, #tpu.memory_space<vmem>>, vector<16xf32>,
      %parallel_loop3A_417 = arith.index_cast %parallel_loop3A_391 : i32 to index
      %parallel_loop3A_418 = arith.index_cast %parallel_loop3A_395 : i32 to index
      %parallel_loop3A_419 = tpu.vector_load %arg11[%parallel_loop3A_417, %parallel_loop3A_418] {strides = array<i32>} : memref<24x512xf32, #tpu.memory_space<vmem>>, vector<16xf32>,
      tpu.vector_store %arg11[%parallel_loop3A_417, %parallel_loop3A_418], %parallel_loop3A_410 {strides = array<i32>} : memref<24x512xf32, #tpu.memory_space<vmem>>, vector<16xf32>,
    } {sc.loop_unroll_factor = 1 : i64, sc.parallel_access}
    %dma_start3A_169 = arith.constant 96 : i32
    %dma_start3A_170 = tpu.memref_slice %arg4[%dma_start3A_169, %mul3A_2] : memref<600x16384xf32, #tpu.memory_space<hbm>> -> memref<24x512xf32, #tpu.memory_space<hbm>>
    %dma_start3A_171 = arith.constant 96 : i32
    %dma_start3A_172 = tpu.memref_slice %arg4[%dma_start3A_171, %mul3A_2] : memref<600x16384xf32, #tpu.memory_space<hbm>> -> memref<24x512xf32, #tpu.memory_space<hbm>>
    tpu.enqueue_dma source(%arg9 : memref<24x512xf32, #tpu.memory_space<vmem>>) target(%dma_start3A_172 : memref<24x512xf32, #tpu.memory_space<hbm>>) target_semaphore(%arg17 : memref<!tpu.dma_semaphore, #tpu.memory_space<semaphore_mem>>)
    %dma_start3A_173 = arith.constant 296 : i32
    %dma_start3A_174 = tpu.memref_slice %arg4[%dma_start3A_173, %mul3A_2] : memref<600x16384xf32, #tpu.memory_space<hbm>> -> memref<24x512xf32, #tpu.memory_space<hbm>>
    %dma_start3A_175 = arith.constant 296 : i32
    %dma_start3A_176 = tpu.memref_slice %arg4[%dma_start3A_175, %mul3A_2] : memref<600x16384xf32, #tpu.memory_space<hbm>> -> memref<24x512xf32, #tpu.memory_space<hbm>>
    tpu.enqueue_dma source(%arg10 : memref<24x512xf32, #tpu.memory_space<vmem>>) target(%dma_start3A_176 : memref<24x512xf32, #tpu.memory_space<hbm>>) target_semaphore(%arg17 : memref<!tpu.dma_semaphore, #tpu.memory_space<semaphore_mem>>)
    %dma_start3A_177 = arith.constant 496 : i32
    %dma_start3A_178 = tpu.memref_slice %arg4[%dma_start3A_177, %mul3A_2] : memref<600x16384xf32, #tpu.memory_space<hbm>> -> memref<24x512xf32, #tpu.memory_space<hbm>>
    %dma_start3A_179 = arith.constant 496 : i32
    %dma_start3A_180 = tpu.memref_slice %arg4[%dma_start3A_179, %mul3A_2] : memref<600x16384xf32, #tpu.memory_space<hbm>> -> memref<24x512xf32, #tpu.memory_space<hbm>>
    tpu.enqueue_dma source(%arg11 : memref<24x512xf32, #tpu.memory_space<vmem>>) target(%dma_start3A_180 : memref<24x512xf32, #tpu.memory_space<hbm>>) target_semaphore(%arg17 : memref<!tpu.dma_semaphore, #tpu.memory_space<semaphore_mem>>)
    %dma_start3A_181 = arith.constant 144 : i32
    %dma_start3A_182 = tpu.memref_slice %arg3[%dma_start3A_181, %mul3A_2] : memref<200x16384xi32, #tpu.memory_space<hbm>> -> memref<24x512xi32, #tpu.memory_space<hbm>>
    %dma_start3A_183 = arith.constant 144 : i32
    %dma_start3A_184 = tpu.memref_slice %arg3[%dma_start3A_183, %mul3A_2] : memref<200x16384xi32, #tpu.memory_space<hbm>> -> memref<24x512xi32, #tpu.memory_space<hbm>>
    tpu.enqueue_dma source(%dma_start3A_184 : memref<24x512xi32, #tpu.memory_space<hbm>>) target(%arg7 : memref<24x512xi32, #tpu.memory_space<vmem>>) target_semaphore(%arg15 : memref<!tpu.dma_semaphore, #tpu.memory_space<semaphore_mem>>)
    %dma_wait3A_185 = arith.constant 120 : i32
    %dma_wait3A_186 = tpu.memref_slice %arg3[%dma_wait3A_185, %mul3A_2] : memref<200x16384xi32, #tpu.memory_space<hbm>> -> memref<24x512xi32, #tpu.memory_space<hbm>>
    %dma_wait3A_187 = arith.constant 120 : i32
    %dma_wait3A_188 = tpu.memref_slice %arg3[%dma_wait3A_187, %mul3A_2] : memref<200x16384xi32, #tpu.memory_space<hbm>> -> memref<24x512xi32, #tpu.memory_space<hbm>>
    tpu.wait_dma2 semaphore(%arg16 : memref<!tpu.dma_semaphore, #tpu.memory_space<semaphore_mem>>) src(%dma_wait3A_188 : memref<24x512xi32, #tpu.memory_space<hbm>>) dst(%arg8 : memref<24x512xi32, #tpu.memory_space<vmem>>)
    %dma_wait3A_189 = arith.constant 72 : i32
    %dma_wait3A_190 = tpu.memref_slice %arg4[%dma_wait3A_189, %mul3A_2] : memref<600x16384xf32, #tpu.memory_space<hbm>> -> memref<24x512xf32, #tpu.memory_space<hbm>>
    %dma_wait3A_191 = arith.constant 72 : i32
    %dma_wait3A_192 = tpu.memref_slice %arg4[%dma_wait3A_191, %mul3A_2] : memref<600x16384xf32, #tpu.memory_space<hbm>> -> memref<24x512xf32, #tpu.memory_space<hbm>>
    tpu.wait_dma2 semaphore(%arg18 : memref<!tpu.dma_semaphore, #tpu.memory_space<semaphore_mem>>) src(%arg12 : memref<24x512xf32, #tpu.memory_space<vmem>>) dst(%dma_wait3A_192 : memref<24x512xf32, #tpu.memory_space<hbm>>)
    %dma_wait3A_193 = arith.constant 272 : i32
    %dma_wait3A_194 = tpu.memref_slice %arg4[%dma_wait3A_193, %mul3A_2] : memref<600x16384xf32, #tpu.memory_space<hbm>> -> memref<24x512xf32, #tpu.memory_space<hbm>>
    %dma_wait3A_195 = arith.constant 272 : i32
    %dma_wait3A_196 = tpu.memref_slice %arg4[%dma_wait3A_195, %mul3A_2] : memref<600x16384xf32, #tpu.memory_space<hbm>> -> memref<24x512xf32, #tpu.memory_space<hbm>>
    tpu.wait_dma2 semaphore(%arg18 : memref<!tpu.dma_semaphore, #tpu.memory_space<semaphore_mem>>) src(%arg13 : memref<24x512xf32, #tpu.memory_space<vmem>>) dst(%dma_wait3A_196 : memref<24x512xf32, #tpu.memory_space<hbm>>)
    %dma_wait3A_197 = arith.constant 472 : i32
    %dma_wait3A_198 = tpu.memref_slice %arg4[%dma_wait3A_197, %mul3A_2] : memref<600x16384xf32, #tpu.memory_space<hbm>> -> memref<24x512xf32, #tpu.memory_space<hbm>>
    %dma_wait3A_199 = arith.constant 472 : i32
    %dma_wait3A_200 = tpu.memref_slice %arg4[%dma_wait3A_199, %mul3A_2] : memref<600x16384xf32, #tpu.memory_space<hbm>> -> memref<24x512xf32, #tpu.memory_space<hbm>>
    tpu.wait_dma2 semaphore(%arg18 : memref<!tpu.dma_semaphore, #tpu.memory_space<semaphore_mem>>) src(%arg14 : memref<24x512xf32, #tpu.memory_space<vmem>>) dst(%dma_wait3A_200 : memref<24x512xf32, #tpu.memory_space<hbm>>)
    %parallel_loop3A_201 = arith.constant 0 : i32
    %parallel_loop3A_202 = arith.constant 768 : i32
    %parallel_loop3A_203 = arith.constant 1 : i32
    scf.for %parallel_loop3A_389 = %parallel_loop3A_201 to %parallel_loop3A_202 step %parallel_loop3A_203  : i32 {
      %parallel_loop3A_390 = arith.constant 5 : i32
      %parallel_loop3A_391 = arith.shrui %parallel_loop3A_389, %parallel_loop3A_390 : i32
      %parallel_loop3A_392 = arith.constant 31 : i32
      %parallel_loop3A_393 = arith.andi %parallel_loop3A_389, %parallel_loop3A_392 : i32
      %parallel_loop3A_394 = arith.constant 16 : i32
      %parallel_loop3A_395 = arith.muli %parallel_loop3A_393, %parallel_loop3A_394 : i32
      %parallel_loop3A_396 = arith.index_cast %parallel_loop3A_391 : i32 to index
      %parallel_loop3A_397 = arith.index_cast %parallel_loop3A_395 : i32 to index
      %parallel_loop3A_398 = tpu.vector_load %arg8[%parallel_loop3A_396, %parallel_loop3A_397] {strides = array<i32>} : memref<24x512xi32, #tpu.memory_space<vmem>>, vector<16xi32>,
      %parallel_loop3A_399 = arith.constant 3 : i32
      %parallel_loop3A_400 = vector.broadcast %parallel_loop3A_399 : i32 to vector<16xi32>
      %parallel_loop3A_401 = arith.muli %parallel_loop3A_398, %parallel_loop3A_400 : vector<16xi32>
      %parallel_loop3A_402 = tpu.vector_load_idx %arg6[%parallel_loop3A_401] : memref<16xf32, #tpu.memory_space<vmem>>[vector<16xi32>], vector<16xf32>,
      %parallel_loop3A_403 = arith.constant 1 : i32
      %parallel_loop3A_404 = vector.broadcast %parallel_loop3A_403 : i32 to vector<16xi32>
      %parallel_loop3A_405 = arith.addi %parallel_loop3A_401, %parallel_loop3A_404 : vector<16xi32>
      %parallel_loop3A_406 = tpu.vector_load_idx %arg6[%parallel_loop3A_405] : memref<16xf32, #tpu.memory_space<vmem>>[vector<16xi32>], vector<16xf32>,
      %parallel_loop3A_407 = arith.constant 2 : i32
      %parallel_loop3A_408 = vector.broadcast %parallel_loop3A_407 : i32 to vector<16xi32>
      %parallel_loop3A_409 = arith.addi %parallel_loop3A_401, %parallel_loop3A_408 : vector<16xi32>
      %parallel_loop3A_410 = tpu.vector_load_idx %arg6[%parallel_loop3A_409] : memref<16xf32, #tpu.memory_space<vmem>>[vector<16xi32>], vector<16xf32>,
      %parallel_loop3A_411 = arith.index_cast %parallel_loop3A_391 : i32 to index
      %parallel_loop3A_412 = arith.index_cast %parallel_loop3A_395 : i32 to index
      %parallel_loop3A_413 = tpu.vector_load %arg12[%parallel_loop3A_411, %parallel_loop3A_412] {strides = array<i32>} : memref<24x512xf32, #tpu.memory_space<vmem>>, vector<16xf32>,
      tpu.vector_store %arg12[%parallel_loop3A_411, %parallel_loop3A_412], %parallel_loop3A_402 {strides = array<i32>} : memref<24x512xf32, #tpu.memory_space<vmem>>, vector<16xf32>,
      %parallel_loop3A_414 = arith.index_cast %parallel_loop3A_391 : i32 to index
      %parallel_loop3A_415 = arith.index_cast %parallel_loop3A_395 : i32 to index
      %parallel_loop3A_416 = tpu.vector_load %arg13[%parallel_loop3A_414, %parallel_loop3A_415] {strides = array<i32>} : memref<24x512xf32, #tpu.memory_space<vmem>>, vector<16xf32>,
      tpu.vector_store %arg13[%parallel_loop3A_414, %parallel_loop3A_415], %parallel_loop3A_406 {strides = array<i32>} : memref<24x512xf32, #tpu.memory_space<vmem>>, vector<16xf32>,
      %parallel_loop3A_417 = arith.index_cast %parallel_loop3A_391 : i32 to index
      %parallel_loop3A_418 = arith.index_cast %parallel_loop3A_395 : i32 to index
      %parallel_loop3A_419 = tpu.vector_load %arg14[%parallel_loop3A_417, %parallel_loop3A_418] {strides = array<i32>} : memref<24x512xf32, #tpu.memory_space<vmem>>, vector<16xf32>,
      tpu.vector_store %arg14[%parallel_loop3A_417, %parallel_loop3A_418], %parallel_loop3A_410 {strides = array<i32>} : memref<24x512xf32, #tpu.memory_space<vmem>>, vector<16xf32>,
    } {sc.loop_unroll_factor = 1 : i64, sc.parallel_access}
    %dma_start3A_204 = arith.constant 120 : i32
    %dma_start3A_205 = tpu.memref_slice %arg4[%dma_start3A_204, %mul3A_2] : memref<600x16384xf32, #tpu.memory_space<hbm>> -> memref<24x512xf32, #tpu.memory_space<hbm>>
    %dma_start3A_206 = arith.constant 120 : i32
    %dma_start3A_207 = tpu.memref_slice %arg4[%dma_start3A_206, %mul3A_2] : memref<600x16384xf32, #tpu.memory_space<hbm>> -> memref<24x512xf32, #tpu.memory_space<hbm>>
    tpu.enqueue_dma source(%arg12 : memref<24x512xf32, #tpu.memory_space<vmem>>) target(%dma_start3A_207 : memref<24x512xf32, #tpu.memory_space<hbm>>) target_semaphore(%arg18 : memref<!tpu.dma_semaphore, #tpu.memory_space<semaphore_mem>>)
    %dma_start3A_208 = arith.constant 320 : i32
    %dma_start3A_209 = tpu.memref_slice %arg4[%dma_start3A_208, %mul3A_2] : memref<600x16384xf32, #tpu.memory_space<hbm>> -> memref<24x512xf32, #tpu.memory_space<hbm>>
    %dma_start3A_210 = arith.constant 320 : i32
    %dma_start3A_211 = tpu.memref_slice %arg4[%dma_start3A_210, %mul3A_2] : memref<600x16384xf32, #tpu.memory_space<hbm>> -> memref<24x512xf32, #tpu.memory_space<hbm>>
    tpu.enqueue_dma source(%arg13 : memref<24x512xf32, #tpu.memory_space<vmem>>) target(%dma_start3A_211 : memref<24x512xf32, #tpu.memory_space<hbm>>) target_semaphore(%arg18 : memref<!tpu.dma_semaphore, #tpu.memory_space<semaphore_mem>>)
    %dma_start3A_212 = arith.constant 520 : i32
    %dma_start3A_213 = tpu.memref_slice %arg4[%dma_start3A_212, %mul3A_2] : memref<600x16384xf32, #tpu.memory_space<hbm>> -> memref<24x512xf32, #tpu.memory_space<hbm>>
    %dma_start3A_214 = arith.constant 520 : i32
    %dma_start3A_215 = tpu.memref_slice %arg4[%dma_start3A_214, %mul3A_2] : memref<600x16384xf32, #tpu.memory_space<hbm>> -> memref<24x512xf32, #tpu.memory_space<hbm>>
    tpu.enqueue_dma source(%arg14 : memref<24x512xf32, #tpu.memory_space<vmem>>) target(%dma_start3A_215 : memref<24x512xf32, #tpu.memory_space<hbm>>) target_semaphore(%arg18 : memref<!tpu.dma_semaphore, #tpu.memory_space<semaphore_mem>>)
    %dma_start3A_216 = arith.constant 168 : i32
    %dma_start3A_217 = tpu.memref_slice %arg3[%dma_start3A_216, %mul3A_2] : memref<200x16384xi32, #tpu.memory_space<hbm>> -> memref<24x512xi32, #tpu.memory_space<hbm>>
    %dma_start3A_218 = arith.constant 168 : i32
    %dma_start3A_219 = tpu.memref_slice %arg3[%dma_start3A_218, %mul3A_2] : memref<200x16384xi32, #tpu.memory_space<hbm>> -> memref<24x512xi32, #tpu.memory_space<hbm>>
    tpu.enqueue_dma source(%dma_start3A_219 : memref<24x512xi32, #tpu.memory_space<hbm>>) target(%arg8 : memref<24x512xi32, #tpu.memory_space<vmem>>) target_semaphore(%arg16 : memref<!tpu.dma_semaphore, #tpu.memory_space<semaphore_mem>>)
    %dma_wait3A_220 = arith.constant 144 : i32
    %dma_wait3A_221 = tpu.memref_slice %arg3[%dma_wait3A_220, %mul3A_2] : memref<200x16384xi32, #tpu.memory_space<hbm>> -> memref<24x512xi32, #tpu.memory_space<hbm>>
    %dma_wait3A_222 = arith.constant 144 : i32
    %dma_wait3A_223 = tpu.memref_slice %arg3[%dma_wait3A_222, %mul3A_2] : memref<200x16384xi32, #tpu.memory_space<hbm>> -> memref<24x512xi32, #tpu.memory_space<hbm>>
    tpu.wait_dma2 semaphore(%arg15 : memref<!tpu.dma_semaphore, #tpu.memory_space<semaphore_mem>>) src(%dma_wait3A_223 : memref<24x512xi32, #tpu.memory_space<hbm>>) dst(%arg7 : memref<24x512xi32, #tpu.memory_space<vmem>>)
    %dma_wait3A_224 = arith.constant 96 : i32
    %dma_wait3A_225 = tpu.memref_slice %arg4[%dma_wait3A_224, %mul3A_2] : memref<600x16384xf32, #tpu.memory_space<hbm>> -> memref<24x512xf32, #tpu.memory_space<hbm>>
    %dma_wait3A_226 = arith.constant 96 : i32
    %dma_wait3A_227 = tpu.memref_slice %arg4[%dma_wait3A_226, %mul3A_2] : memref<600x16384xf32, #tpu.memory_space<hbm>> -> memref<24x512xf32, #tpu.memory_space<hbm>>
    tpu.wait_dma2 semaphore(%arg17 : memref<!tpu.dma_semaphore, #tpu.memory_space<semaphore_mem>>) src(%arg9 : memref<24x512xf32, #tpu.memory_space<vmem>>) dst(%dma_wait3A_227 : memref<24x512xf32, #tpu.memory_space<hbm>>)
    %dma_wait3A_228 = arith.constant 296 : i32
    %dma_wait3A_229 = tpu.memref_slice %arg4[%dma_wait3A_228, %mul3A_2] : memref<600x16384xf32, #tpu.memory_space<hbm>> -> memref<24x512xf32, #tpu.memory_space<hbm>>
    %dma_wait3A_230 = arith.constant 296 : i32
    %dma_wait3A_231 = tpu.memref_slice %arg4[%dma_wait3A_230, %mul3A_2] : memref<600x16384xf32, #tpu.memory_space<hbm>> -> memref<24x512xf32, #tpu.memory_space<hbm>>
    tpu.wait_dma2 semaphore(%arg17 : memref<!tpu.dma_semaphore, #tpu.memory_space<semaphore_mem>>) src(%arg10 : memref<24x512xf32, #tpu.memory_space<vmem>>) dst(%dma_wait3A_231 : memref<24x512xf32, #tpu.memory_space<hbm>>)
    %dma_wait3A_232 = arith.constant 496 : i32
    %dma_wait3A_233 = tpu.memref_slice %arg4[%dma_wait3A_232, %mul3A_2] : memref<600x16384xf32, #tpu.memory_space<hbm>> -> memref<24x512xf32, #tpu.memory_space<hbm>>
    %dma_wait3A_234 = arith.constant 496 : i32
    %dma_wait3A_235 = tpu.memref_slice %arg4[%dma_wait3A_234, %mul3A_2] : memref<600x16384xf32, #tpu.memory_space<hbm>> -> memref<24x512xf32, #tpu.memory_space<hbm>>
    tpu.wait_dma2 semaphore(%arg17 : memref<!tpu.dma_semaphore, #tpu.memory_space<semaphore_mem>>) src(%arg11 : memref<24x512xf32, #tpu.memory_space<vmem>>) dst(%dma_wait3A_235 : memref<24x512xf32, #tpu.memory_space<hbm>>)
    %parallel_loop3A_236 = arith.constant 0 : i32
    %parallel_loop3A_237 = arith.constant 768 : i32
    %parallel_loop3A_238 = arith.constant 1 : i32
    scf.for %parallel_loop3A_389 = %parallel_loop3A_236 to %parallel_loop3A_237 step %parallel_loop3A_238  : i32 {
      %parallel_loop3A_390 = arith.constant 5 : i32
      %parallel_loop3A_391 = arith.shrui %parallel_loop3A_389, %parallel_loop3A_390 : i32
      %parallel_loop3A_392 = arith.constant 31 : i32
      %parallel_loop3A_393 = arith.andi %parallel_loop3A_389, %parallel_loop3A_392 : i32
      %parallel_loop3A_394 = arith.constant 16 : i32
      %parallel_loop3A_395 = arith.muli %parallel_loop3A_393, %parallel_loop3A_394 : i32
      %parallel_loop3A_396 = arith.index_cast %parallel_loop3A_391 : i32 to index
      %parallel_loop3A_397 = arith.index_cast %parallel_loop3A_395 : i32 to index
      %parallel_loop3A_398 = tpu.vector_load %arg7[%parallel_loop3A_396, %parallel_loop3A_397] {strides = array<i32>} : memref<24x512xi32, #tpu.memory_space<vmem>>, vector<16xi32>,
      %parallel_loop3A_399 = arith.constant 3 : i32
      %parallel_loop3A_400 = vector.broadcast %parallel_loop3A_399 : i32 to vector<16xi32>
      %parallel_loop3A_401 = arith.muli %parallel_loop3A_398, %parallel_loop3A_400 : vector<16xi32>
      %parallel_loop3A_402 = tpu.vector_load_idx %arg6[%parallel_loop3A_401] : memref<16xf32, #tpu.memory_space<vmem>>[vector<16xi32>], vector<16xf32>,
      %parallel_loop3A_403 = arith.constant 1 : i32
      %parallel_loop3A_404 = vector.broadcast %parallel_loop3A_403 : i32 to vector<16xi32>
      %parallel_loop3A_405 = arith.addi %parallel_loop3A_401, %parallel_loop3A_404 : vector<16xi32>
      %parallel_loop3A_406 = tpu.vector_load_idx %arg6[%parallel_loop3A_405] : memref<16xf32, #tpu.memory_space<vmem>>[vector<16xi32>], vector<16xf32>,
      %parallel_loop3A_407 = arith.constant 2 : i32
      %parallel_loop3A_408 = vector.broadcast %parallel_loop3A_407 : i32 to vector<16xi32>
      %parallel_loop3A_409 = arith.addi %parallel_loop3A_401, %parallel_loop3A_408 : vector<16xi32>
      %parallel_loop3A_410 = tpu.vector_load_idx %arg6[%parallel_loop3A_409] : memref<16xf32, #tpu.memory_space<vmem>>[vector<16xi32>], vector<16xf32>,
      %parallel_loop3A_411 = arith.index_cast %parallel_loop3A_391 : i32 to index
      %parallel_loop3A_412 = arith.index_cast %parallel_loop3A_395 : i32 to index
      %parallel_loop3A_413 = tpu.vector_load %arg9[%parallel_loop3A_411, %parallel_loop3A_412] {strides = array<i32>} : memref<24x512xf32, #tpu.memory_space<vmem>>, vector<16xf32>,
      tpu.vector_store %arg9[%parallel_loop3A_411, %parallel_loop3A_412], %parallel_loop3A_402 {strides = array<i32>} : memref<24x512xf32, #tpu.memory_space<vmem>>, vector<16xf32>,
      %parallel_loop3A_414 = arith.index_cast %parallel_loop3A_391 : i32 to index
      %parallel_loop3A_415 = arith.index_cast %parallel_loop3A_395 : i32 to index
      %parallel_loop3A_416 = tpu.vector_load %arg10[%parallel_loop3A_414, %parallel_loop3A_415] {strides = array<i32>} : memref<24x512xf32, #tpu.memory_space<vmem>>, vector<16xf32>,
      tpu.vector_store %arg10[%parallel_loop3A_414, %parallel_loop3A_415], %parallel_loop3A_406 {strides = array<i32>} : memref<24x512xf32, #tpu.memory_space<vmem>>, vector<16xf32>,
      %parallel_loop3A_417 = arith.index_cast %parallel_loop3A_391 : i32 to index
      %parallel_loop3A_418 = arith.index_cast %parallel_loop3A_395 : i32 to index
      %parallel_loop3A_419 = tpu.vector_load %arg11[%parallel_loop3A_417, %parallel_loop3A_418] {strides = array<i32>} : memref<24x512xf32, #tpu.memory_space<vmem>>, vector<16xf32>,
      tpu.vector_store %arg11[%parallel_loop3A_417, %parallel_loop3A_418], %parallel_loop3A_410 {strides = array<i32>} : memref<24x512xf32, #tpu.memory_space<vmem>>, vector<16xf32>,
    } {sc.loop_unroll_factor = 1 : i64, sc.parallel_access}
    %dma_start3A_239 = arith.constant 144 : i32
    %dma_start3A_240 = tpu.memref_slice %arg4[%dma_start3A_239, %mul3A_2] : memref<600x16384xf32, #tpu.memory_space<hbm>> -> memref<24x512xf32, #tpu.memory_space<hbm>>
    %dma_start3A_241 = arith.constant 144 : i32
    %dma_start3A_242 = tpu.memref_slice %arg4[%dma_start3A_241, %mul3A_2] : memref<600x16384xf32, #tpu.memory_space<hbm>> -> memref<24x512xf32, #tpu.memory_space<hbm>>
    tpu.enqueue_dma source(%arg9 : memref<24x512xf32, #tpu.memory_space<vmem>>) target(%dma_start3A_242 : memref<24x512xf32, #tpu.memory_space<hbm>>) target_semaphore(%arg17 : memref<!tpu.dma_semaphore, #tpu.memory_space<semaphore_mem>>)
    %dma_start3A_243 = arith.constant 344 : i32
    %dma_start3A_244 = tpu.memref_slice %arg4[%dma_start3A_243, %mul3A_2] : memref<600x16384xf32, #tpu.memory_space<hbm>> -> memref<24x512xf32, #tpu.memory_space<hbm>>
    %dma_start3A_245 = arith.constant 344 : i32
    %dma_start3A_246 = tpu.memref_slice %arg4[%dma_start3A_245, %mul3A_2] : memref<600x16384xf32, #tpu.memory_space<hbm>> -> memref<24x512xf32, #tpu.memory_space<hbm>>
    tpu.enqueue_dma source(%arg10 : memref<24x512xf32, #tpu.memory_space<vmem>>) target(%dma_start3A_246 : memref<24x512xf32, #tpu.memory_space<hbm>>) target_semaphore(%arg17 : memref<!tpu.dma_semaphore, #tpu.memory_space<semaphore_mem>>)
    %dma_start3A_247 = arith.constant 544 : i32
    %dma_start3A_248 = tpu.memref_slice %arg4[%dma_start3A_247, %mul3A_2] : memref<600x16384xf32, #tpu.memory_space<hbm>> -> memref<24x512xf32, #tpu.memory_space<hbm>>
    %dma_start3A_249 = arith.constant 544 : i32
    %dma_start3A_250 = tpu.memref_slice %arg4[%dma_start3A_249, %mul3A_2] : memref<600x16384xf32, #tpu.memory_space<hbm>> -> memref<24x512xf32, #tpu.memory_space<hbm>>
    tpu.enqueue_dma source(%arg11 : memref<24x512xf32, #tpu.memory_space<vmem>>) target(%dma_start3A_250 : memref<24x512xf32, #tpu.memory_space<hbm>>) target_semaphore(%arg17 : memref<!tpu.dma_semaphore, #tpu.memory_space<semaphore_mem>>)
    %dma_start3A_251 = arith.constant 0 : i32
    %dma_start3A_252 = arith.constant 0 : i32
    %dma_start3A_253 = tpu.memref_slice %arg7[%dma_start3A_251, %dma_start3A_252] : memref<24x512xi32, #tpu.memory_space<vmem>> -> memref<8x512xi32, #tpu.memory_space<vmem>>
    %dma_start3A_254 = arith.constant 192 : i32
    %dma_start3A_255 = tpu.memref_slice %arg3[%dma_start3A_254, %mul3A_2] : memref<200x16384xi32, #tpu.memory_space<hbm>> -> memref<8x512xi32, #tpu.memory_space<hbm>>
    %dma_start3A_256 = arith.constant 0 : i32
    %dma_start3A_257 = arith.constant 0 : i32
    %dma_start3A_258 = tpu.memref_slice %arg7[%dma_start3A_256, %dma_start3A_257] : memref<24x512xi32, #tpu.memory_space<vmem>> -> memref<8x512xi32, #tpu.memory_space<vmem>>
    %dma_start3A_259 = arith.constant 192 : i32
    %dma_start3A_260 = tpu.memref_slice %arg3[%dma_start3A_259, %mul3A_2] : memref<200x16384xi32, #tpu.memory_space<hbm>> -> memref<8x512xi32, #tpu.memory_space<hbm>>
    tpu.enqueue_dma source(%dma_start3A_260 : memref<8x512xi32, #tpu.memory_space<hbm>>) target(%dma_start3A_258 : memref<8x512xi32, #tpu.memory_space<vmem>>) target_semaphore(%arg15 : memref<!tpu.dma_semaphore, #tpu.memory_space<semaphore_mem>>)
    %dma_wait3A_261 = arith.constant 168 : i32
    %dma_wait3A_262 = tpu.memref_slice %arg3[%dma_wait3A_261, %mul3A_2] : memref<200x16384xi32, #tpu.memory_space<hbm>> -> memref<24x512xi32, #tpu.memory_space<hbm>>
    %dma_wait3A_263 = arith.constant 168 : i32
    %dma_wait3A_264 = tpu.memref_slice %arg3[%dma_wait3A_263, %mul3A_2] : memref<200x16384xi32, #tpu.memory_space<hbm>> -> memref<24x512xi32, #tpu.memory_space<hbm>>
    tpu.wait_dma2 semaphore(%arg16 : memref<!tpu.dma_semaphore, #tpu.memory_space<semaphore_mem>>) src(%dma_wait3A_264 : memref<24x512xi32, #tpu.memory_space<hbm>>) dst(%arg8 : memref<24x512xi32, #tpu.memory_space<vmem>>)
    %dma_wait3A_265 = arith.constant 120 : i32
    %dma_wait3A_266 = tpu.memref_slice %arg4[%dma_wait3A_265, %mul3A_2] : memref<600x16384xf32, #tpu.memory_space<hbm>> -> memref<24x512xf32, #tpu.memory_space<hbm>>
    %dma_wait3A_267 = arith.constant 120 : i32
    %dma_wait3A_268 = tpu.memref_slice %arg4[%dma_wait3A_267, %mul3A_2] : memref<600x16384xf32, #tpu.memory_space<hbm>> -> memref<24x512xf32, #tpu.memory_space<hbm>>
    tpu.wait_dma2 semaphore(%arg18 : memref<!tpu.dma_semaphore, #tpu.memory_space<semaphore_mem>>) src(%arg12 : memref<24x512xf32, #tpu.memory_space<vmem>>) dst(%dma_wait3A_268 : memref<24x512xf32, #tpu.memory_space<hbm>>)
    %dma_wait3A_269 = arith.constant 320 : i32
    %dma_wait3A_270 = tpu.memref_slice %arg4[%dma_wait3A_269, %mul3A_2] : memref<600x16384xf32, #tpu.memory_space<hbm>> -> memref<24x512xf32, #tpu.memory_space<hbm>>
    %dma_wait3A_271 = arith.constant 320 : i32
    %dma_wait3A_272 = tpu.memref_slice %arg4[%dma_wait3A_271, %mul3A_2] : memref<600x16384xf32, #tpu.memory_space<hbm>> -> memref<24x512xf32, #tpu.memory_space<hbm>>
    tpu.wait_dma2 semaphore(%arg18 : memref<!tpu.dma_semaphore, #tpu.memory_space<semaphore_mem>>) src(%arg13 : memref<24x512xf32, #tpu.memory_space<vmem>>) dst(%dma_wait3A_272 : memref<24x512xf32, #tpu.memory_space<hbm>>)
    %dma_wait3A_273 = arith.constant 520 : i32
    %dma_wait3A_274 = tpu.memref_slice %arg4[%dma_wait3A_273, %mul3A_2] : memref<600x16384xf32, #tpu.memory_space<hbm>> -> memref<24x512xf32, #tpu.memory_space<hbm>>
    %dma_wait3A_275 = arith.constant 520 : i32
    %dma_wait3A_276 = tpu.memref_slice %arg4[%dma_wait3A_275, %mul3A_2] : memref<600x16384xf32, #tpu.memory_space<hbm>> -> memref<24x512xf32, #tpu.memory_space<hbm>>
    tpu.wait_dma2 semaphore(%arg18 : memref<!tpu.dma_semaphore, #tpu.memory_space<semaphore_mem>>) src(%arg14 : memref<24x512xf32, #tpu.memory_space<vmem>>) dst(%dma_wait3A_276 : memref<24x512xf32, #tpu.memory_space<hbm>>)
    %parallel_loop3A_277 = arith.constant 0 : i32
    %parallel_loop3A_278 = arith.constant 768 : i32
    %parallel_loop3A_279 = arith.constant 1 : i32
    scf.for %parallel_loop3A_389 = %parallel_loop3A_277 to %parallel_loop3A_278 step %parallel_loop3A_279  : i32 {
      %parallel_loop3A_390 = arith.constant 5 : i32
      %parallel_loop3A_391 = arith.shrui %parallel_loop3A_389, %parallel_loop3A_390 : i32
      %parallel_loop3A_392 = arith.constant 31 : i32
      %parallel_loop3A_393 = arith.andi %parallel_loop3A_389, %parallel_loop3A_392 : i32
      %parallel_loop3A_394 = arith.constant 16 : i32
      %parallel_loop3A_395 = arith.muli %parallel_loop3A_393, %parallel_loop3A_394 : i32
      %parallel_loop3A_396 = arith.index_cast %parallel_loop3A_391 : i32 to index
      %parallel_loop3A_397 = arith.index_cast %parallel_loop3A_395 : i32 to index
      %parallel_loop3A_398 = tpu.vector_load %arg8[%parallel_loop3A_396, %parallel_loop3A_397] {strides = array<i32>} : memref<24x512xi32, #tpu.memory_space<vmem>>, vector<16xi32>,
      %parallel_loop3A_399 = arith.constant 3 : i32
      %parallel_loop3A_400 = vector.broadcast %parallel_loop3A_399 : i32 to vector<16xi32>
      %parallel_loop3A_401 = arith.muli %parallel_loop3A_398, %parallel_loop3A_400 : vector<16xi32>
      %parallel_loop3A_402 = tpu.vector_load_idx %arg6[%parallel_loop3A_401] : memref<16xf32, #tpu.memory_space<vmem>>[vector<16xi32>], vector<16xf32>,
      %parallel_loop3A_403 = arith.constant 1 : i32
      %parallel_loop3A_404 = vector.broadcast %parallel_loop3A_403 : i32 to vector<16xi32>
      %parallel_loop3A_405 = arith.addi %parallel_loop3A_401, %parallel_loop3A_404 : vector<16xi32>
      %parallel_loop3A_406 = tpu.vector_load_idx %arg6[%parallel_loop3A_405] : memref<16xf32, #tpu.memory_space<vmem>>[vector<16xi32>], vector<16xf32>,
      %parallel_loop3A_407 = arith.constant 2 : i32
      %parallel_loop3A_408 = vector.broadcast %parallel_loop3A_407 : i32 to vector<16xi32>
      %parallel_loop3A_409 = arith.addi %parallel_loop3A_401, %parallel_loop3A_408 : vector<16xi32>
      %parallel_loop3A_410 = tpu.vector_load_idx %arg6[%parallel_loop3A_409] : memref<16xf32, #tpu.memory_space<vmem>>[vector<16xi32>], vector<16xf32>,
      %parallel_loop3A_411 = arith.index_cast %parallel_loop3A_391 : i32 to index
      %parallel_loop3A_412 = arith.index_cast %parallel_loop3A_395 : i32 to index
      %parallel_loop3A_413 = tpu.vector_load %arg12[%parallel_loop3A_411, %parallel_loop3A_412] {strides = array<i32>} : memref<24x512xf32, #tpu.memory_space<vmem>>, vector<16xf32>,
      tpu.vector_store %arg12[%parallel_loop3A_411, %parallel_loop3A_412], %parallel_loop3A_402 {strides = array<i32>} : memref<24x512xf32, #tpu.memory_space<vmem>>, vector<16xf32>,
      %parallel_loop3A_414 = arith.index_cast %parallel_loop3A_391 : i32 to index
      %parallel_loop3A_415 = arith.index_cast %parallel_loop3A_395 : i32 to index
      %parallel_loop3A_416 = tpu.vector_load %arg13[%parallel_loop3A_414, %parallel_loop3A_415] {strides = array<i32>} : memref<24x512xf32, #tpu.memory_space<vmem>>, vector<16xf32>,
      tpu.vector_store %arg13[%parallel_loop3A_414, %parallel_loop3A_415], %parallel_loop3A_406 {strides = array<i32>} : memref<24x512xf32, #tpu.memory_space<vmem>>, vector<16xf32>,
      %parallel_loop3A_417 = arith.index_cast %parallel_loop3A_391 : i32 to index
      %parallel_loop3A_418 = arith.index_cast %parallel_loop3A_395 : i32 to index
      %parallel_loop3A_419 = tpu.vector_load %arg14[%parallel_loop3A_417, %parallel_loop3A_418] {strides = array<i32>} : memref<24x512xf32, #tpu.memory_space<vmem>>, vector<16xf32>,
      tpu.vector_store %arg14[%parallel_loop3A_417, %parallel_loop3A_418], %parallel_loop3A_410 {strides = array<i32>} : memref<24x512xf32, #tpu.memory_space<vmem>>, vector<16xf32>,
    } {sc.loop_unroll_factor = 1 : i64, sc.parallel_access}
    %dma_start3A_280 = arith.constant 168 : i32
    %dma_start3A_281 = tpu.memref_slice %arg4[%dma_start3A_280, %mul3A_2] : memref<600x16384xf32, #tpu.memory_space<hbm>> -> memref<24x512xf32, #tpu.memory_space<hbm>>
    %dma_start3A_282 = arith.constant 168 : i32
    %dma_start3A_283 = tpu.memref_slice %arg4[%dma_start3A_282, %mul3A_2] : memref<600x16384xf32, #tpu.memory_space<hbm>> -> memref<24x512xf32, #tpu.memory_space<hbm>>
    tpu.enqueue_dma source(%arg12 : memref<24x512xf32, #tpu.memory_space<vmem>>) target(%dma_start3A_283 : memref<24x512xf32, #tpu.memory_space<hbm>>) target_semaphore(%arg18 : memref<!tpu.dma_semaphore, #tpu.memory_space<semaphore_mem>>)
    %dma_start3A_284 = arith.constant 368 : i32
    %dma_start3A_285 = tpu.memref_slice %arg4[%dma_start3A_284, %mul3A_2] : memref<600x16384xf32, #tpu.memory_space<hbm>> -> memref<24x512xf32, #tpu.memory_space<hbm>>
    %dma_start3A_286 = arith.constant 368 : i32
    %dma_start3A_287 = tpu.memref_slice %arg4[%dma_start3A_286, %mul3A_2] : memref<600x16384xf32, #tpu.memory_space<hbm>> -> memref<24x512xf32, #tpu.memory_space<hbm>>
    tpu.enqueue_dma source(%arg13 : memref<24x512xf32, #tpu.memory_space<vmem>>) target(%dma_start3A_287 : memref<24x512xf32, #tpu.memory_space<hbm>>) target_semaphore(%arg18 : memref<!tpu.dma_semaphore, #tpu.memory_space<semaphore_mem>>)
    %dma_start3A_288 = arith.constant 568 : i32
    %dma_start3A_289 = tpu.memref_slice %arg4[%dma_start3A_288, %mul3A_2] : memref<600x16384xf32, #tpu.memory_space<hbm>> -> memref<24x512xf32, #tpu.memory_space<hbm>>
    %dma_start3A_290 = arith.constant 568 : i32
    %dma_start3A_291 = tpu.memref_slice %arg4[%dma_start3A_290, %mul3A_2] : memref<600x16384xf32, #tpu.memory_space<hbm>> -> memref<24x512xf32, #tpu.memory_space<hbm>>
    tpu.enqueue_dma source(%arg14 : memref<24x512xf32, #tpu.memory_space<vmem>>) target(%dma_start3A_291 : memref<24x512xf32, #tpu.memory_space<hbm>>) target_semaphore(%arg18 : memref<!tpu.dma_semaphore, #tpu.memory_space<semaphore_mem>>)
    %dma_wait3A_292 = arith.constant 0 : i32
    %dma_wait3A_293 = arith.constant 0 : i32
    %dma_wait3A_294 = tpu.memref_slice %arg7[%dma_wait3A_292, %dma_wait3A_293] : memref<24x512xi32, #tpu.memory_space<vmem>> -> memref<8x512xi32, #tpu.memory_space<vmem>>
    %dma_wait3A_295 = arith.constant 192 : i32
    %dma_wait3A_296 = tpu.memref_slice %arg3[%dma_wait3A_295, %mul3A_2] : memref<200x16384xi32, #tpu.memory_space<hbm>> -> memref<8x512xi32, #tpu.memory_space<hbm>>
    %dma_wait3A_297 = arith.constant 0 : i32
    %dma_wait3A_298 = arith.constant 0 : i32
    %dma_wait3A_299 = tpu.memref_slice %arg7[%dma_wait3A_297, %dma_wait3A_298] : memref<24x512xi32, #tpu.memory_space<vmem>> -> memref<8x512xi32, #tpu.memory_space<vmem>>
    %dma_wait3A_300 = arith.constant 192 : i32
    %dma_wait3A_301 = tpu.memref_slice %arg3[%dma_wait3A_300, %mul3A_2] : memref<200x16384xi32, #tpu.memory_space<hbm>> -> memref<8x512xi32, #tpu.memory_space<hbm>>
    tpu.wait_dma2 semaphore(%arg15 : memref<!tpu.dma_semaphore, #tpu.memory_space<semaphore_mem>>) src(%dma_wait3A_301 : memref<8x512xi32, #tpu.memory_space<hbm>>) dst(%dma_wait3A_299 : memref<8x512xi32, #tpu.memory_space<vmem>>)
    %dma_wait3A_302 = arith.constant 144 : i32
    %dma_wait3A_303 = tpu.memref_slice %arg4[%dma_wait3A_302, %mul3A_2] : memref<600x16384xf32, #tpu.memory_space<hbm>> -> memref<24x512xf32, #tpu.memory_space<hbm>>
    %dma_wait3A_304 = arith.constant 144 : i32
    %dma_wait3A_305 = tpu.memref_slice %arg4[%dma_wait3A_304, %mul3A_2] : memref<600x16384xf32, #tpu.memory_space<hbm>> -> memref<24x512xf32, #tpu.memory_space<hbm>>
    tpu.wait_dma2 semaphore(%arg17 : memref<!tpu.dma_semaphore, #tpu.memory_space<semaphore_mem>>) src(%arg9 : memref<24x512xf32, #tpu.memory_space<vmem>>) dst(%dma_wait3A_305 : memref<24x512xf32, #tpu.memory_space<hbm>>)
    %dma_wait3A_306 = arith.constant 344 : i32
    %dma_wait3A_307 = tpu.memref_slice %arg4[%dma_wait3A_306, %mul3A_2] : memref<600x16384xf32, #tpu.memory_space<hbm>> -> memref<24x512xf32, #tpu.memory_space<hbm>>
    %dma_wait3A_308 = arith.constant 344 : i32
    %dma_wait3A_309 = tpu.memref_slice %arg4[%dma_wait3A_308, %mul3A_2] : memref<600x16384xf32, #tpu.memory_space<hbm>> -> memref<24x512xf32, #tpu.memory_space<hbm>>
    tpu.wait_dma2 semaphore(%arg17 : memref<!tpu.dma_semaphore, #tpu.memory_space<semaphore_mem>>) src(%arg10 : memref<24x512xf32, #tpu.memory_space<vmem>>) dst(%dma_wait3A_309 : memref<24x512xf32, #tpu.memory_space<hbm>>)
    %dma_wait3A_310 = arith.constant 544 : i32
    %dma_wait3A_311 = tpu.memref_slice %arg4[%dma_wait3A_310, %mul3A_2] : memref<600x16384xf32, #tpu.memory_space<hbm>> -> memref<24x512xf32, #tpu.memory_space<hbm>>
    %dma_wait3A_312 = arith.constant 544 : i32
    %dma_wait3A_313 = tpu.memref_slice %arg4[%dma_wait3A_312, %mul3A_2] : memref<600x16384xf32, #tpu.memory_space<hbm>> -> memref<24x512xf32, #tpu.memory_space<hbm>>
    tpu.wait_dma2 semaphore(%arg17 : memref<!tpu.dma_semaphore, #tpu.memory_space<semaphore_mem>>) src(%arg11 : memref<24x512xf32, #tpu.memory_space<vmem>>) dst(%dma_wait3A_313 : memref<24x512xf32, #tpu.memory_space<hbm>>)
    %parallel_loop3A_314 = arith.constant 0 : i32
    %parallel_loop3A_315 = arith.constant 256 : i32
    %parallel_loop3A_316 = arith.constant 1 : i32
    scf.for %parallel_loop3A_389 = %parallel_loop3A_314 to %parallel_loop3A_315 step %parallel_loop3A_316  : i32 {
      %parallel_loop3A_390 = arith.constant 5 : i32
      %parallel_loop3A_391 = arith.shrui %parallel_loop3A_389, %parallel_loop3A_390 : i32
      %parallel_loop3A_392 = arith.constant 31 : i32
      %parallel_loop3A_393 = arith.andi %parallel_loop3A_389, %parallel_loop3A_392 : i32
      %parallel_loop3A_394 = arith.constant 16 : i32
      %parallel_loop3A_395 = arith.muli %parallel_loop3A_393, %parallel_loop3A_394 : i32
      %parallel_loop3A_396 = arith.index_cast %parallel_loop3A_391 : i32 to index
      %parallel_loop3A_397 = arith.index_cast %parallel_loop3A_395 : i32 to index
      %parallel_loop3A_398 = tpu.vector_load %arg7[%parallel_loop3A_396, %parallel_loop3A_397] {strides = array<i32>} : memref<24x512xi32, #tpu.memory_space<vmem>>, vector<16xi32>,
      %parallel_loop3A_399 = arith.constant 3 : i32
      %parallel_loop3A_400 = vector.broadcast %parallel_loop3A_399 : i32 to vector<16xi32>
      %parallel_loop3A_401 = arith.muli %parallel_loop3A_398, %parallel_loop3A_400 : vector<16xi32>
      %parallel_loop3A_402 = tpu.vector_load_idx %arg6[%parallel_loop3A_401] : memref<16xf32, #tpu.memory_space<vmem>>[vector<16xi32>], vector<16xf32>,
      %parallel_loop3A_403 = arith.constant 1 : i32
      %parallel_loop3A_404 = vector.broadcast %parallel_loop3A_403 : i32 to vector<16xi32>
      %parallel_loop3A_405 = arith.addi %parallel_loop3A_401, %parallel_loop3A_404 : vector<16xi32>
      %parallel_loop3A_406 = tpu.vector_load_idx %arg6[%parallel_loop3A_405] : memref<16xf32, #tpu.memory_space<vmem>>[vector<16xi32>], vector<16xf32>,
      %parallel_loop3A_407 = arith.constant 2 : i32
      %parallel_loop3A_408 = vector.broadcast %parallel_loop3A_407 : i32 to vector<16xi32>
      %parallel_loop3A_409 = arith.addi %parallel_loop3A_401, %parallel_loop3A_408 : vector<16xi32>
      %parallel_loop3A_410 = tpu.vector_load_idx %arg6[%parallel_loop3A_409] : memref<16xf32, #tpu.memory_space<vmem>>[vector<16xi32>], vector<16xf32>,
      %parallel_loop3A_411 = arith.index_cast %parallel_loop3A_391 : i32 to index
      %parallel_loop3A_412 = arith.index_cast %parallel_loop3A_395 : i32 to index
      %parallel_loop3A_413 = tpu.vector_load %arg9[%parallel_loop3A_411, %parallel_loop3A_412] {strides = array<i32>} : memref<24x512xf32, #tpu.memory_space<vmem>>, vector<16xf32>,
      tpu.vector_store %arg9[%parallel_loop3A_411, %parallel_loop3A_412], %parallel_loop3A_402 {strides = array<i32>} : memref<24x512xf32, #tpu.memory_space<vmem>>, vector<16xf32>,
      %parallel_loop3A_414 = arith.index_cast %parallel_loop3A_391 : i32 to index
      %parallel_loop3A_415 = arith.index_cast %parallel_loop3A_395 : i32 to index
      %parallel_loop3A_416 = tpu.vector_load %arg10[%parallel_loop3A_414, %parallel_loop3A_415] {strides = array<i32>} : memref<24x512xf32, #tpu.memory_space<vmem>>, vector<16xf32>,
      tpu.vector_store %arg10[%parallel_loop3A_414, %parallel_loop3A_415], %parallel_loop3A_406 {strides = array<i32>} : memref<24x512xf32, #tpu.memory_space<vmem>>, vector<16xf32>,
      %parallel_loop3A_417 = arith.index_cast %parallel_loop3A_391 : i32 to index
      %parallel_loop3A_418 = arith.index_cast %parallel_loop3A_395 : i32 to index
      %parallel_loop3A_419 = tpu.vector_load %arg11[%parallel_loop3A_417, %parallel_loop3A_418] {strides = array<i32>} : memref<24x512xf32, #tpu.memory_space<vmem>>, vector<16xf32>,
      tpu.vector_store %arg11[%parallel_loop3A_417, %parallel_loop3A_418], %parallel_loop3A_410 {strides = array<i32>} : memref<24x512xf32, #tpu.memory_space<vmem>>, vector<16xf32>,
    } {sc.loop_unroll_factor = 1 : i64, sc.parallel_access}
    %dma_start3A_317 = arith.constant 0 : i32
    %dma_start3A_318 = arith.constant 0 : i32
    %dma_start3A_319 = tpu.memref_slice %arg9[%dma_start3A_317, %dma_start3A_318] : memref<24x512xf32, #tpu.memory_space<vmem>> -> memref<8x512xf32, #tpu.memory_space<vmem>>
    %dma_start3A_320 = arith.constant 192 : i32
    %dma_start3A_321 = tpu.memref_slice %arg4[%dma_start3A_320, %mul3A_2] : memref<600x16384xf32, #tpu.memory_space<hbm>> -> memref<8x512xf32, #tpu.memory_space<hbm>>
    %dma_start3A_322 = arith.constant 192 : i32
    %dma_start3A_323 = tpu.memref_slice %arg4[%dma_start3A_322, %mul3A_2] : memref<600x16384xf32, #tpu.memory_space<hbm>> -> memref<8x512xf32, #tpu.memory_space<hbm>>
    %dma_start3A_324 = arith.constant 0 : i32
    %dma_start3A_325 = arith.constant 0 : i32
    %dma_start3A_326 = tpu.memref_slice %arg9[%dma_start3A_324, %dma_start3A_325] : memref<24x512xf32, #tpu.memory_space<vmem>> -> memref<8x512xf32, #tpu.memory_space<vmem>>
    tpu.enqueue_dma source(%dma_start3A_326 : memref<8x512xf32, #tpu.memory_space<vmem>>) target(%dma_start3A_323 : memref<8x512xf32, #tpu.memory_space<hbm>>) target_semaphore(%arg17 : memref<!tpu.dma_semaphore, #tpu.memory_space<semaphore_mem>>)
    %dma_start3A_327 = arith.constant 0 : i32
    %dma_start3A_328 = arith.constant 0 : i32
    %dma_start3A_329 = tpu.memref_slice %arg10[%dma_start3A_327, %dma_start3A_328] : memref<24x512xf32, #tpu.memory_space<vmem>> -> memref<8x512xf32, #tpu.memory_space<vmem>>
    %dma_start3A_330 = arith.constant 392 : i32
    %dma_start3A_331 = tpu.memref_slice %arg4[%dma_start3A_330, %mul3A_2] : memref<600x16384xf32, #tpu.memory_space<hbm>> -> memref<8x512xf32, #tpu.memory_space<hbm>>
    %dma_start3A_332 = arith.constant 392 : i32
    %dma_start3A_333 = tpu.memref_slice %arg4[%dma_start3A_332, %mul3A_2] : memref<600x16384xf32, #tpu.memory_space<hbm>> -> memref<8x512xf32, #tpu.memory_space<hbm>>
    %dma_start3A_334 = arith.constant 0 : i32
    %dma_start3A_335 = arith.constant 0 : i32
    %dma_start3A_336 = tpu.memref_slice %arg10[%dma_start3A_334, %dma_start3A_335] : memref<24x512xf32, #tpu.memory_space<vmem>> -> memref<8x512xf32, #tpu.memory_space<vmem>>
    tpu.enqueue_dma source(%dma_start3A_336 : memref<8x512xf32, #tpu.memory_space<vmem>>) target(%dma_start3A_333 : memref<8x512xf32, #tpu.memory_space<hbm>>) target_semaphore(%arg17 : memref<!tpu.dma_semaphore, #tpu.memory_space<semaphore_mem>>)
    %dma_start3A_337 = arith.constant 0 : i32
    %dma_start3A_338 = arith.constant 0 : i32
    %dma_start3A_339 = tpu.memref_slice %arg11[%dma_start3A_337, %dma_start3A_338] : memref<24x512xf32, #tpu.memory_space<vmem>> -> memref<8x512xf32, #tpu.memory_space<vmem>>
    %dma_start3A_340 = arith.constant 592 : i32
    %dma_start3A_341 = tpu.memref_slice %arg4[%dma_start3A_340, %mul3A_2] : memref<600x16384xf32, #tpu.memory_space<hbm>> -> memref<8x512xf32, #tpu.memory_space<hbm>>
    %dma_start3A_342 = arith.constant 592 : i32
    %dma_start3A_343 = tpu.memref_slice %arg4[%dma_start3A_342, %mul3A_2] : memref<600x16384xf32, #tpu.memory_space<hbm>> -> memref<8x512xf32, #tpu.memory_space<hbm>>
    %dma_start3A_344 = arith.constant 0 : i32
    %dma_start3A_345 = arith.constant 0 : i32
    %dma_start3A_346 = tpu.memref_slice %arg11[%dma_start3A_344, %dma_start3A_345] : memref<24x512xf32, #tpu.memory_space<vmem>> -> memref<8x512xf32, #tpu.memory_space<vmem>>
    tpu.enqueue_dma source(%dma_start3A_346 : memref<8x512xf32, #tpu.memory_space<vmem>>) target(%dma_start3A_343 : memref<8x512xf32, #tpu.memory_space<hbm>>) target_semaphore(%arg17 : memref<!tpu.dma_semaphore, #tpu.memory_space<semaphore_mem>>)
    %dma_wait3A_347 = arith.constant 0 : i32
    %dma_wait3A_348 = arith.constant 0 : i32
    %dma_wait3A_349 = tpu.memref_slice %arg9[%dma_wait3A_347, %dma_wait3A_348] : memref<24x512xf32, #tpu.memory_space<vmem>> -> memref<8x512xf32, #tpu.memory_space<vmem>>
    %dma_wait3A_350 = arith.constant 192 : i32
    %dma_wait3A_351 = tpu.memref_slice %arg4[%dma_wait3A_350, %mul3A_2] : memref<600x16384xf32, #tpu.memory_space<hbm>> -> memref<8x512xf32, #tpu.memory_space<hbm>>
    %dma_wait3A_352 = arith.constant 192 : i32
    %dma_wait3A_353 = tpu.memref_slice %arg4[%dma_wait3A_352, %mul3A_2] : memref<600x16384xf32, #tpu.memory_space<hbm>> -> memref<8x512xf32, #tpu.memory_space<hbm>>
    %dma_wait3A_354 = arith.constant 0 : i32
    %dma_wait3A_355 = arith.constant 0 : i32
    %dma_wait3A_356 = tpu.memref_slice %arg9[%dma_wait3A_354, %dma_wait3A_355] : memref<24x512xf32, #tpu.memory_space<vmem>> -> memref<8x512xf32, #tpu.memory_space<vmem>>
    tpu.wait_dma2 semaphore(%arg17 : memref<!tpu.dma_semaphore, #tpu.memory_space<semaphore_mem>>) src(%dma_wait3A_356 : memref<8x512xf32, #tpu.memory_space<vmem>>) dst(%dma_wait3A_353 : memref<8x512xf32, #tpu.memory_space<hbm>>)
    %dma_wait3A_357 = arith.constant 0 : i32
    %dma_wait3A_358 = arith.constant 0 : i32
    %dma_wait3A_359 = tpu.memref_slice %arg10[%dma_wait3A_357, %dma_wait3A_358] : memref<24x512xf32, #tpu.memory_space<vmem>> -> memref<8x512xf32, #tpu.memory_space<vmem>>
    %dma_wait3A_360 = arith.constant 392 : i32
    %dma_wait3A_361 = tpu.memref_slice %arg4[%dma_wait3A_360, %mul3A_2] : memref<600x16384xf32, #tpu.memory_space<hbm>> -> memref<8x512xf32, #tpu.memory_space<hbm>>
    %dma_wait3A_362 = arith.constant 392 : i32
    %dma_wait3A_363 = tpu.memref_slice %arg4[%dma_wait3A_362, %mul3A_2] : memref<600x16384xf32, #tpu.memory_space<hbm>> -> memref<8x512xf32, #tpu.memory_space<hbm>>
    %dma_wait3A_364 = arith.constant 0 : i32
    %dma_wait3A_365 = arith.constant 0 : i32
    %dma_wait3A_366 = tpu.memref_slice %arg10[%dma_wait3A_364, %dma_wait3A_365] : memref<24x512xf32, #tpu.memory_space<vmem>> -> memref<8x512xf32, #tpu.memory_space<vmem>>
    tpu.wait_dma2 semaphore(%arg17 : memref<!tpu.dma_semaphore, #tpu.memory_space<semaphore_mem>>) src(%dma_wait3A_366 : memref<8x512xf32, #tpu.memory_space<vmem>>) dst(%dma_wait3A_363 : memref<8x512xf32, #tpu.memory_space<hbm>>)
    %dma_wait3A_367 = arith.constant 0 : i32
    %dma_wait3A_368 = arith.constant 0 : i32
    %dma_wait3A_369 = tpu.memref_slice %arg11[%dma_wait3A_367, %dma_wait3A_368] : memref<24x512xf32, #tpu.memory_space<vmem>> -> memref<8x512xf32, #tpu.memory_space<vmem>>
    %dma_wait3A_370 = arith.constant 592 : i32
    %dma_wait3A_371 = tpu.memref_slice %arg4[%dma_wait3A_370, %mul3A_2] : memref<600x16384xf32, #tpu.memory_space<hbm>> -> memref<8x512xf32, #tpu.memory_space<hbm>>
    %dma_wait3A_372 = arith.constant 592 : i32
    %dma_wait3A_373 = tpu.memref_slice %arg4[%dma_wait3A_372, %mul3A_2] : memref<600x16384xf32, #tpu.memory_space<hbm>> -> memref<8x512xf32, #tpu.memory_space<hbm>>
    %dma_wait3A_374 = arith.constant 0 : i32
    %dma_wait3A_375 = arith.constant 0 : i32
    %dma_wait3A_376 = tpu.memref_slice %arg11[%dma_wait3A_374, %dma_wait3A_375] : memref<24x512xf32, #tpu.memory_space<vmem>> -> memref<8x512xf32, #tpu.memory_space<vmem>>
    tpu.wait_dma2 semaphore(%arg17 : memref<!tpu.dma_semaphore, #tpu.memory_space<semaphore_mem>>) src(%dma_wait3A_376 : memref<8x512xf32, #tpu.memory_space<vmem>>) dst(%dma_wait3A_373 : memref<8x512xf32, #tpu.memory_space<hbm>>)
    %dma_wait3A_377 = arith.constant 168 : i32
    %dma_wait3A_378 = tpu.memref_slice %arg4[%dma_wait3A_377, %mul3A_2] : memref<600x16384xf32, #tpu.memory_space<hbm>> -> memref<24x512xf32, #tpu.memory_space<hbm>>
    %dma_wait3A_379 = arith.constant 168 : i32
    %dma_wait3A_380 = tpu.memref_slice %arg4[%dma_wait3A_379, %mul3A_2] : memref<600x16384xf32, #tpu.memory_space<hbm>> -> memref<24x512xf32, #tpu.memory_space<hbm>>
    tpu.wait_dma2 semaphore(%arg18 : memref<!tpu.dma_semaphore, #tpu.memory_space<semaphore_mem>>) src(%arg12 : memref<24x512xf32, #tpu.memory_space<vmem>>) dst(%dma_wait3A_380 : memref<24x512xf32, #tpu.memory_space<hbm>>)
    %dma_wait3A_381 = arith.constant 368 : i32
    %dma_wait3A_382 = tpu.memref_slice %arg4[%dma_wait3A_381, %mul3A_2] : memref<600x16384xf32, #tpu.memory_space<hbm>> -> memref<24x512xf32, #tpu.memory_space<hbm>>
    %dma_wait3A_383 = arith.constant 368 : i32
    %dma_wait3A_384 = tpu.memref_slice %arg4[%dma_wait3A_383, %mul3A_2] : memref<600x16384xf32, #tpu.memory_space<hbm>> -> memref<24x512xf32, #tpu.memory_space<hbm>>
    tpu.wait_dma2 semaphore(%arg18 : memref<!tpu.dma_semaphore, #tpu.memory_space<semaphore_mem>>) src(%arg13 : memref<24x512xf32, #tpu.memory_space<vmem>>) dst(%dma_wait3A_384 : memref<24x512xf32, #tpu.memory_space<hbm>>)
    %dma_wait3A_385 = arith.constant 568 : i32
    %dma_wait3A_386 = tpu.memref_slice %arg4[%dma_wait3A_385, %mul3A_2] : memref<600x16384xf32, #tpu.memory_space<hbm>> -> memref<24x512xf32, #tpu.memory_space<hbm>>
    %dma_wait3A_387 = arith.constant 568 : i32
    %dma_wait3A_388 = tpu.memref_slice %arg4[%dma_wait3A_387, %mul3A_2] : memref<600x16384xf32, #tpu.memory_space<hbm>> -> memref<24x512xf32, #tpu.memory_space<hbm>>
    tpu.wait_dma2 semaphore(%arg18 : memref<!tpu.dma_semaphore, #tpu.memory_space<semaphore_mem>>) src(%arg14 : memref<24x512xf32, #tpu.memory_space<vmem>>) dst(%dma_wait3A_388 : memref<24x512xf32, #tpu.memory_space<hbm>>)
    return
  }
}

</mosaic_0001>

<sc_bundles>
// kernel: kernel.3.cloned.1.call-start
scs
__scs_entry_jumppad:
0x0: {  	(pc) =	sbr.rel $0x88, $3  }
0x1: {  	(tag) =	ssettag $0x0;
	lr =	simm.s32 $0x1  }
0x2: {  	[smem:$0x3F9F] =	sst lr;
	_ =	strace $0xD0000000  }
0x3: {  	_ = 	snop  }
0x4: {  	_ = 	snop  }
0x5: {  	_ = 	snop  }
0x6: {  	_ = 	snop  }
0x7: {  	_ = 	snop  }
__scs_overlays_trampoline_lowered:
0x8: {  	[smem:$0x3FAE] =	sst s0  }
0x9: {  	[smem:$0x3FAF] =	sst s1  }
0xa: {  	[smem:$0x3FB0] =	sst s2  }
0xb: {  	[smem:$0x3FB1] =	sst s3  }
0xc: {  	[smem:$0x3FB2] =	sst s4  }
0xd: {  	[smem:$0x3FB3] =	sst s5  }
0xe: {  	[smem:$0x3FB4] =	sst s6  }
0xf: {  	[smem:$0x3FB5] =	sst s7  }
0x10: {  	[smem:$0x3FB6] =	sst s8  }
0x11: {  	[smem:$0x3FB7] =	sst s9;
	s0 =	simm.s32 @!p0 $0x0  }
0x12: {  	s1 =	sld [smem:$0x3F9D];
	s0 =	simm.s32 @p0 $0x1  }
0x13: {  	[smem:$0x3FB8] =	sst s0;
	s0 =	simm.s32 @!p1 $0x0  }
0x14: {  	s2 =	sld [smem:$0x3F9C];
	s0 =	simm.s32 @p1 $0x1  }
0x15: {  	[smem:$0x3FB9] =	sst s0;
	s0 =	simm.s32 @!p2 $0x0  }
0x16: {  	s3 =	sld [smem:$0x3FDB];
	s0 =	simm.s32 @p2 $0x1  }
0x17: {  	s4 =	simm.s32 $0x1BF5;
	[smem:$0x3FBB] =	sst s0  }
0x18: {  	s0 =	sld [smem:$0x3F9E];
	_ =	swait.ge [sflag:s4], $0x0  }
0x19: {  	s7 =	sld [smem:$0x3F9F]  }
0x1a: {  	s8 =	sadd.s32 $0xFFFFE003, lr  }
0x1b: {  	s9 =	sadd.s32 $0xFFFFFEF7, lr;
	s5 =	simm.s32 $0xFFFFFFFF;
	p2 =	slt.u32 s8, $0xFFFFF086  }
0x1c: {  	p1 =	slt.u32 s9, $0xF7A;
	s5 =	simm.s32 @!p2 $0x0  }
0x1d: {  	s5 =	simm.s32 @p1 $0x1;
	p0 =	seq.s32 s7, s2  }
0x1e: {  	s7 =	smul.u32 @!p0 $0xF7A, s2;
	p2 =	seq.s32 @!p0 s5, $0x0  }
0x1f: {  	s9 =	smul.u32 $0xF7A, s1;
	s8 =	simm.s32 @!p0 $0x1BF5;
	p2 =	por !p2, p0  }
0x20: {  	[sflag:s8] =	ssyncset.s32 @!p0 $0xFFFFF086;
	s6 =	sadd.s32 @!p0 s3, s7;
	s7 =	simm.s32 @!p0 $0x108  }
0x21: {  	s3 =	sadd.s32 s3, s9;
	s6 =	sadd.s32 @!p0 $0x88, s6;
	s7 =	simm.s32 @p2 $0x1082  }
0x22: {  	[simem:s7], [sflag:s8] =	dma.local @!p0 [hbm:s6], $0xF7A  }
0x23: {  	s9 =	sor.u32 $0xD0000000, s2;
	s6 =	simm.s32 $0x108;
	_ =	swait.ge @!p0 [sflag:s8], $0x0  }
0x24: {  	s3 =	sadd.s32 $0x88, s3;
	s6 =	simm.s32 @!p1 $0x1082;
	[sflag:s4] =	ssyncset.s32 $0xFFFFF086  }
0x25: {  	[simem:s6], [sflag:s4] =	dma.local [hbm:s3], $0xF7A  }
0x26: {  	[smem:$0x3F9F] =	sst s1;
	(tag) =	ssettag s2;
	_ =	strace s9  }
0x27: {  	s1 =	sld [smem:$0x3FAF]  }
0x28: {  	s2 =	sld [smem:$0x3FB0]  }
0x29: {  	s4 =	sld [smem:$0x3FB2]  }
0x2a: {  	p0 =	seq.s32 s5, $0x0;
	s5 =	sld [smem:$0x3FB3]  }
0x2b: {  	s6 =	sld [smem:$0x3FB4]  }
0x2c: {  	s7 =	sld [smem:$0x3FB5]  }
0x2d: {  	s3 =	simm.s32 $0x108;
	s8 =	sld [smem:$0x3FB6]  }
0x2e: {  	s3 =	simm.s32 @!p0 $0x1082;
	s9 =	sld [smem:$0x3FB7]  }
0x2f: {  	lr =	sadd.s32 s0, s3;
	s0 =	sld [smem:$0x3FAE]  }
0x30: {  	s3 =	sld [smem:$0x3FB1]  }
0x31: {  	[smem:$0x3FBA] =	sst s10  }
0x32: {  	s10 =	sld [smem:$0x3FB8];
	_ =	sdelay $0x3  }
0x33: {  	p0 =	seq.s32 s10, $0x1;
	s10 =	sld [smem:$0x3FBA];
	_ =	sdelay $0x3  }
0x34: {  	[smem:$0x3FBA] =	sst s10  }
0x35: {  	s10 =	sld [smem:$0x3FB9];
	_ =	sdelay $0x3  }
0x36: {  	p1 =	seq.s32 s10, $0x1;
	s10 =	sld [smem:$0x3FBA];
	_ =	sdelay $0x3  }
0x37: {  	[smem:$0x3FBA] =	sst s10  }
0x38: {  	s10 =	sld [smem:$0x3FBB]  }
0x39: {  	_ = 	snop;
	(pc) =	sbr.ind lr, $3  }
0x3a: {  	_ = 	snop  }
0x3b: {  	_ = 	snop  }
0x3c: {  	p2 =	seq.s32 s10, $0x1;
	s10 =	sld [smem:$0x3FBA]  }
0x3d: {  	_ =	shalt  }
0x3e: {  	_ =	shalt  }
0x3f: {  	_ =	shalt  }
0x40: {  	_ =	shalt  }
0x41: {  	_ =	shalt  }
0x42: {  	_ =	shalt  }
0x43: {  	_ =	shalt  }
0x44: {  	_ =	shalt  }
0x45: {  	_ =	shalt  }
0x46: {  	_ =	shalt  }
0x47: {  	_ =	shalt  }
0x48: {  	_ =	shalt  }
0x49: {  	_ =	shalt  }
0x4a: {  	_ =	shalt  }
0x4b: {  	_ =	shalt  }
0x4c: {  	_ =	shalt  }
0x4d: {  	_ =	shalt  }
0x4e: {  	_ =	shalt  }
0x4f: {  	_ =	shalt  }
0x50: {  	_ =	shalt  }
0x51: {  	_ =	shalt  }
0x52: {  	_ =	shalt  }
0x53: {  	_ =	shalt  }
0x54: {  	_ =	shalt  }
0x55: {  	_ =	shalt  }
0x56: {  	_ =	shalt  }
0x57: {  	_ =	shalt  }
0x58: {  	_ =	shalt  }
0x59: {  	_ =	shalt  }
0x5a: {  	_ =	shalt  }
0x5b: {  	_ =	shalt  }
0x5c: {  	_ =	shalt  }
0x5d: {  	_ =	shalt  }
0x5e: {  	_ =	shalt  }
0x5f: {  	_ =	shalt  }
0x60: {  	_ =	shalt  }
0x61: {  	_ =	shalt  }
0x62: {  	_ =	shalt  }
0x63: {  	_ =	shalt  }
0x64: {  	_ =	shalt  }
0x65: {  	_ =	shalt  }
0x66: {  	_ =	shalt  }
0x67: {  	_ =	shalt  }
0x68: {  	_ =	shalt  }
0x69: {  	_ =	shalt  }
0x6a: {  	_ =	shalt  }
0x6b: {  	_ =	shalt  }
0x6c: {  	_ =	shalt  }
0x6d: {  	_ =	shalt  }
0x6e: {  	_ =	shalt  }
0x6f: {  	_ =	shalt  }
0x70: {  	_ =	shalt  }
0x71: {  	_ =	shalt  }
0x72: {  	_ =	shalt  }
0x73: {  	_ =	shalt  }
0x74: {  	_ =	shalt  }
0x75: {  	_ =	shalt  }
0x76: {  	_ =	shalt  }
0x77: {  	_ =	shalt  }
0x78: {  	_ =	shalt  }
0x79: {  	_ =	shalt  }
0x7a: {  	_ =	shalt  }
0x7b: {  	_ =	shalt  }
0x7c: {  	_ =	shalt  }
0x7d: {  	_ =	shalt  }
0x7e: {  	_ =	shalt  }
0x7f: {  	_ =	shalt  }
0x80: {  	_ =	shalt  }
0x81: {  	_ =	shalt  }
0x82: {  	_ =	shalt  }
0x83: {  	_ =	shalt  }
0x84: {  	_ =	shalt  }
0x85: {  	_ =	shalt  }
0x86: {  	_ =	shalt  }
0x87: {  	_ =	shalt  }
.Lfunc_end0:
.L_simem_size_0:
called_computation_lowered:
.L_overlay_start_0:
0x88: {  	s2 =	sld [smem:$0x3FD9]  }
0x89: {  	s3 =	sld [smem:$0x3FFE];
	_ =	sdelay $0x1  }
0x8a: {  	s1 =	srdreg.scid  }
0x8b: {  	s0 =	sand.u32 $0x1, s1  }
0x8c: {  	s17 =	sshll.u32 s0, $0xA;
	s2 =	sadd.s32 s3, s2  }
0x8d: {  	s2 =	sadd.s32 s2, s17  }
0x8e: {  	[smem:$0x3FC6] =	sst s2  }
0x8f: {  	_ = 	snop  }
0x90: {  	s2 =	sld [smem:$0x3FC9]  }
0x91: {  	s18 =	sld [smem:$0x3FD0];
	(tm) =	ssettm $0x1  }
0x92: {  	s4 =	sld [smem:$0x3FFB];
	_ =	sdelay $0x3  }
0x93: {  	_ =	strace s4  }
0x94: {  	s4 =	sld [smem:$0x3FFC];
	_ =	sdelay $0x3  }
0x95: {  	_ =	strace s4  }
0x96: {  	s4 =	sld [smem:$0x3FFD];
	_ =	sdelay $0x3  }
0x97: {  	_ =	strace s4  }
0x98: {  	_ =	strace $0x8FFFFFFF  }
0x99: {  	s19 =	sld [smem:$0x3FDB];
	_ =	sdelay $0x1  }
0x9a: {  	s5 =	simm.s32 $_scs_section_size  }
0x9b: {  	s6 =	simm.s32 $_size__tile_overlayer_lowered;
	s7 =	simm.s32 $_tile_overlayer_lowered  }
0x9c: {  	s22 =	simm.s32 $0x1BFF;
	s21 =	sshll.u32 s7, $0x1;
	s4 =	sadd.s32 s5, s19  }
0x9d: {  	s8 =	simm.s32 $0x0;
	s20 =	sshll.u32 s6, $0x1;
	s6 =	sadd.s32 s21, s4  }
0x9e: {  	[timem:s8], [sflag:s22] =	dma.local [hbm:s6], s20  }
0x9f: {  	_ =	swait.ge [sflag:s22], s20  }
0xa0: {  	s5 =	ssub.s32 $0x0, s20;
	[sflag:s22] =	ssyncset.done $0x0  }
0xa1: {  	[sflag:s22] =	ssyncadd.s32 s5;
	_ =	sdelay $0x1  }
0xa2: {  	s23 =	simm.s32 $0x1B8B  }
0xa3: {  	_ =	swait.ge [sflag:s23], $0x1  }
0xa4: {  	[sflag:s23] =	ssyncset.done $0x0  }
0xa5: {  	s25 =	simm.s32 $0x1B8E;
	s24 =	sld [smem:$0x3FFE];
	[sflag:s23] =	ssyncadd.s32 $0xFFFFFFFF  }
0xa6: {  	s26 =	simm.s32 $execute0_lowered;
	[smem:$0x3FD2] =	sst s25  }
0xa7: {  	s6 =	sshll.u32 s26, $0x1;
	_ =	strace $0x80000046;
	[dreg:$0x1] =	wrdreg $0xFFFFFFFF  }
0xa8: {  	s28 =	simm.s32 $_size_execute0_lowered;
	s4 =	sadd.s32 s4, s6;
	[dreg:$0x0] =	wrdreg $0x0  }
0xa9: {  	s6 =	sshll.u32 s28, $0x1;
	[dreg:$0x2] =	wrdreg s4  }
0xaa: {  	[dreg:$0x3] =	wrdreg s6  }
0xab: {  	[dreg:$0x4] =	wrdreg $0xC0  }
0xac: {  	_ =	task [dreg:s8], $0x5FFFF  }
0xad: {  	[dreg:$0x1] =	wrdreg $0xFFFFFFFF  }
0xae: {  	[dreg:$0x0] =	wrdreg $0x60  }
0xaf: {  	[dreg:$0x2] =	wrdreg s24  }
0xb0: {  	[dreg:$0x3] =	wrdreg s2  }
0xb1: {  	[dreg:$0x4] =	wrdreg s18  }
0xb2: {  	[dreg:$0x5] =	wrdreg $0x9  }
0xb3: {  	_ =	task.clear_ibuf [dreg:s8], $0x6FFFF;
	_ =	strace $0x90000046  }
0xb4: {  	s29 =	simm.s32 $0x9;
	_ =	strace $0x80000048  }
0xb5: {  	_ =	swait.ge [sflag:s29], $0x1  }
0xb6: {  	[sflag:s29] =	ssyncadd.s32 $0xFFFFFFFF  }
0xb7: {  	_ =	strace $0x90000048  }
0xb8: {  	_ =	sfence  }
0xb9: {  	s30 =	sld [smem:$0x0];
	_ =	sdelay $0x2  }
0xba: {  	s31 =	sshll.u32 s1, $0xD;
	s1 =	sshrl.u32 s1, $0x2  }
0xbb: {  	s3 =	sand.u32 $0x4000, s31;
	s1 =	sadd.s32 s1, s30  }
0xbc: {  	s0 =	sor.u32 s3, s0;
	s1 =	sshll.u32 s1, $0x11  }
0xbd: {  	s0 =	sor.u32 s1, s0  }
0xbe: {  	s0 =	sadd.s32 $0x8F2B, s0  }
0xbf: {  	[sflag:s0] =	ssyncadd.remote.s32 $0x1  }
0xc0: {  	_ =	sfence.sel $0xFFFF  }
0xc1: {  	[dreg:$0x0] =	wrdreg $0xFFFFFFFF;
	(pc) =	sbr.abs _section_cstart, $3  }
0xc2: {  	[dreg:$0x1] =	wrdreg $0xFFFFFFFF  }
0xc3: {  	_ =	task.clear_ibuf [dreg:s8], $0x2FFFF;
	_ =	strace $0x9FFFFFFF  }
0xc4: {  	(tm) =	ssettm $0x7FFFFFFF  }
0xc5: {  	_ =	shalt  }
tec
execute0_lowered:
.L_overlay_start_1:
0x0: {  	(tag) =	ssettag $0x1  }
0x1: {  	s0 =	rddreg [dreg:$0x0]  }
0x2: {  	s1 =	rddreg [dreg:$0x1]  }
0x3: {  	s3 =	rddreg [dreg:$0x2];
	s2 =	simm.s32 $0x0;
	s4 =	srdreg.scid  }
0x4: {  	s6 =	stileid.u32;
	[smem:$0x7FF] =	sst s2;
	s4 =	sand.u32 $0x1, s4  }
0x5: {  	s6 =	sshll.u32 s6, $0xA;
	s5 =	ssub.s32 $0x2, s4;
	s4 =	sshll.u32 s4, $0x9  }
0x6: {  	s0 =	sadd.s32 $0x400, s0;
	_ =	strace $0x80000047;
	s4 =	sor.u32 s4, s6  }
0x7: {  	[dreg:$0x4] =	wrdreg s0;
	s18 =	sadd.s32 s1, s4;
	s19 =	sor.u32 $0xC000, s4  }
0x8: {  	s6 =	sadd.s32 s3, s4;
	[dreg:$0x5] =	wrdreg s18;
	s20 =	sadd.s32 s1, s19  }
0x9: {  	s17 =	sshrl.u32 s5, $0x1;
	s8 =	sadd.s32 $0x64000, s6;
	[dreg:$0x6] =	wrdreg s20  }
0xa: {  	s7 =	sor.u32 $0x18000, s4;
	s21 =	sadd.s32 $0xC8000, s6;
	[dreg:$0x7] =	wrdreg s8  }
0xb: {  	s0 =	ssub.s32 s5, s17;
	s22 =	sadd.s32 s1, s7;
	[dreg:$0x8] =	wrdreg s21  }
0xc: {  	s23 =	sor.u32 $0x24000, s4;
	s5 =	sadd.s32 s3, s19;
	[dreg:$0x9] =	wrdreg s22  }
0xd: {  	s9 =	sadd.s32 s1, s23;
	[dreg:$0xa] =	wrdreg s5  }
0xe: {  	s24 =	sor.u32 $0x30000, s4;
	s7 =	sadd.s32 s3, s7;
	[dreg:$0xb] =	wrdreg s9  }
0xf: {  	s26 =	sor.u32 $0x3C000, s4;
	s25 =	sadd.s32 s1, s24;
	[dreg:$0xc] =	wrdreg s7  }
0x10: {  	s10 =	sor.u32 $0x54000, s4;
	s31 =	sadd.s32 s1, s26;
	[dreg:$0xd] =	wrdreg s25  }
0x11: {  	s30 =	sor.u32 $0x48000, s4;
	s11 =	sadd.s32 s1, s10;
	[dreg:$0xf] =	wrdreg s31  }
0x12: {  	s4 =	sor.u32 $0x60000, s4;
	s12 =	sadd.s32 s3, s10;
	[dreg:$0x13] =	wrdreg s11  }
0x13: {  	s13 =	sadd.s32 s3, s4;
	[dreg:$0x16] =	wrdreg s12  }
0x14: {  	s14 =	sadd.s32 $0x70000, s6;
	[dreg:$0x17] =	wrdreg s13  }
0x15: {  	s0 =	smax.u32 s0, $0x1;
	[dreg:$0x18] =	wrdreg s14  }
0x16: {  	s15 =	sadd.s32 $0xD4000, s6;
	[dreg:$0x19] =	wrdreg s0  }
0x17: {  	s16 =	sadd.s32 $0x7C000, s6;
	[dreg:$0x1a] =	wrdreg s15  }
0x18: {  	s17 =	sadd.s32 $0xE0000, s6;
	[dreg:$0x1b] =	wrdreg s16  }
0x19: {  	s18 =	sadd.s32 $0x88000, s6;
	[dreg:$0x1c] =	wrdreg s17  }
0x1a: {  	s19 =	sadd.s32 $0xEC000, s6;
	[dreg:$0x1d] =	wrdreg s18  }
0x1b: {  	s5 =	sadd.s32 s3, s23;
	[dreg:$0x1e] =	wrdreg s19  }
0x1c: {  	s8 =	sadd.s32 s3, s24;
	[dreg:$0xe] =	wrdreg s5  }
0x1d: {  	s28 =	simm.s32 $0x4;
	s9 =	sadd.s32 s1, s30;
	[dreg:$0x10] =	wrdreg s8  }
0x1e: {  	s29 =	simm.s32 $0x0;
	s7 =	sadd.s32 s3, s30;
	[dreg:$0x11] =	wrdreg s9  }
0x1f: {  	s1 =	sadd.s32 s1, s4;
	s20 =	sadd.s32 $0x94000, s6;
	[dreg:$0x14] =	wrdreg s7  }
0x20: {  	s21 =	sadd.s32 $0xF8000, s6;
	s22 =	sadd.s32 $0xA0000, s6;
	[dreg:$0x15] =	wrdreg s1  }
0x21: {  	s23 =	sadd.s32 $0x104000, s6;
	s24 =	sadd.s32 $0xAC000, s6;
	[dreg:$0x1f] =	wrdreg s20  }
0x22: {  	s25 =	sadd.s32 $0x110000, s6;
	s30 =	sadd.s32 $0x11C000, s6;
	[smem:$0x7F6] =	sst s21  }
0x23: {  	s31 =	sadd.s32 $0xC4000, s6;
	s11 =	sadd.s32 $0x128000, s6;
	[smem:$0x7F7] =	sst s22  }
0x24: {  	s12 =	simm.s32 $0x5;
	s13 =	simm.s32 $0x1000;
	[smem:$0x7F8] =	sst s23  }
0x25: {  	s14 =	simm.s32 $0x20000;
	s15 =	simm.s32 $0x100;
	[smem:$0x7F9] =	sst s24  }
0x26: {  	v0 =	vimm.s32 $0x3000000;
	s16 =	simm.s32 $0x3100;
	s17 =	simm.s32 $0x1;
	[smem:$0x7FA] =	sst s25  }
0x27: {  	v1 =	vimm.s32 $0x4010101;
	v2 =	vimm.s32 $0x5020202;
	s18 =	simm.s32 $0x80;
	s19 =	simm.s32 $0x6100;
	[smem:$0x7FC] =	sst s30  }
0x28: {  	v0 =	vunpack.c.0.s8.s32 v0;
	v1 =	vunpack.c.0.s8.s32 v1;
	v2 =	vunpack.c.0.s8.s32 v2;
	s5 =	sadd.s32 s3, s26;
	s26 =	sadd.s32 $0xB8000, s6;
	[smem:$0x7FD] =	sst s31  }
0x29: {  	vm0 =	vcmask $0xF00;
	vm1 =	vcmask $0x1710;
	s20 =	simm.s32 $0x9100;
	s21 =	simm.s32 $0xC100;
	s22 =	simm.s32 $0x2  }
0x2a: {  	v0 =	vnsel vm0, $0x6, v0;
	v1 =	vnsel vm0, $0x7, v1;
	v2 =	vnsel vm0, $0x8, v2;
	s23 =	simm.s32 $0xF100;
	s24 =	simm.s32 $0x12100;
	[dreg:$0x12] =	wrdreg s5  }
0x2b: {  	v0 =	vsel vm1, $0x3, v0;
	v1 =	vsel vm1, $0x4, v1;
	v2 =	vsel vm1, $0x5, v2;
	s25 =	simm.s32 $0x15100;
	[smem:$0x7FB] =	sst s26;
	s26 =	simm.s32 $0x3  }
.LBB2_1:
0x2c: {  	s0 =	rddreg [dreg:$0x4]  }
0x2d: {  	[tilespmem:s2], [sflag:$0x5] =	stream.linear.gather [hbm4b:s0+s2], $0x80, $0x38;
	[tilespmem:$0x18100] =	vst v63  }
0x2e: {  	_ =	swait.ge [sflag:s12], $0x80  }
0x2f: {  	[sflag:s12] =	ssyncset.done $0x0  }
0x30: {  	[sflag:s12] =	ssyncadd.s32 $0xFFFFFF80  }
0x31: {  	v3 =	vld.idx.msk [tilespmem:v1+s2+$0x0], $0xffff  }
0x32: {  	v4 =	vld.idx.msk [tilespmem:v2+s2+$0x0], $0xffff  }
0x33: {  	v5 =	vld.idx.msk [tilespmem:v0+s2+$0x0], $0xffff;
	_ =	sdelay $0x3  }
0x34: {  	v6 =	vmax.f32 v3, v4  }
0x35: {  	v6 =	vmax.f32 v5, v6  }
0x36: {  	v5 =	vsub.f32 v5, v6  }
0x37: {  	v3 =	vsub.f32 v3, v6  }
0x38: {  	v5 =	vmul.f32 $1.442695020e+00, v5  }
0x39: {  	v4 =	vsub.f32 v4, v6;
	v3 =	vmul.f32 $1.442695020e+00, v3  }
0x3a: {  	(erf) = vpow2.f32 v5  }
0x3b: {  	(erf) = vpow2.f32 v3;
	v3 =	vmul.f32 $1.442695020e+00, v4;
	_ =	sdelay $0x1  }
0x3c: {  	(erf) = vpow2.f32 v3;
	_ =	sdelay $0x1  }
0x3d: {  	v3 =	vld [tilespmem:$0x0];
	_ =	sdelay $0x3  }
0x3e: {  	v4 =	vpop (erf)  }
0x3f: {  	v3 =	vsub.f32 v3, v6;
	v5 =	vpop (erf)  }
0x40: {  	v4 =	vadd.f32 v5, v4  }
0x41: {  	v3 =	vmul.f32 $1.442695020e+00, v3;
	v5 =	vpop (erf)  }
0x42: {  	v4 =	vadd.f32 v4, v5  }
0x43: {  	(erf) = vpow2.f32 v3  }
0x44: {  	(erf) = vrcp.f32 v4;
	_ =	sdelay $0x7  }
0x45: {  	v3 =	vpop (erf)  }
0x46: {  	v4 =	vpop (erf)  }
0x47: {  	v3 =	vmul.f32 v4, v3;
	_ =	sdelay $0x1  }
0x48: {  	s10 =	rddreg [dreg:$0x5];
	[tilespmem:$0x80] =	vst v3  }
0x49: {  	[tilespmem:s15], [sflag:$0x1] =	stream.strided.gather [hbm4b:s10+s13], $0x3000, s14, s13, $0x38;
	[tilespmem:$0x18100] =	vst v63  }
0x4a: {  	s1 =	rddreg [dreg:$0x6]  }
0x4b: {  	[tilespmem:s16], [sflag:$0x2] =	stream.strided.gather [hbm4b:s1+s13], $0x3000, s14, s13, $0x38;
	[tilespmem:$0x18100] =	vst v63  }
0x4c: {  	s3 =	sand.u32 $0x3000, s2;
	s1 =	sand.u32 $0xC00, s2  }
0x4d: {  	s4 =	sand.u32 $0x380, s2;
	_ =	swait.ge [sflag:s17], $0x3000;
	s0 =	sor.u32 s1, s3  }
0x4e: {  	s3 =	sand.u32 $0x70, s2;
	[sflag:s17] =	ssyncset.done $0x0;
	s0 =	sor.u32 s4, s0  }
0x4f: {  	[sflag:s17] =	ssyncadd.s32 $0xFFFFD000;
	s31 =	sor.u32 s3, s0  }
0x50: {  	v3 =	vld [tilespmem:s31+$0x100]  }
0x51: {  	s5 =	simm.s32 $0x10;
	s7 =	simm.s32 $0x80  }
0x52: {  	s8 =	sand.u32 $0x3000, s5;
	s1 =	sand.u32 $0xC00, s7;
	s4 =	simm.s32 $0x4  }
0x53: {  	s1 =	sor.u32 s1, s8;
	s9 =	sand.u32 $0x380, s4  }
0x54: {  	s0 =	sand.u32 $0x70, s5;
	s1 =	sor.u32 s9, s1  }
0x55: {  	s30 =	sor.u32 s0, s1;
	v3 =	vmul.u32 $0x3, v3  }
0x56: {  	s10 =	simm.s32 $0x20;
	s4 =	simm.s32 $0x100;
	v4 =	vld [tilespmem:s30+$0x100]  }
0x57: {  	s7 =	simm.s32 $0x8;
	s5 =	sand.u32 $0x3000, s10;
	s1 =	sand.u32 $0xC00, s4;
	v5 =	vadd.s32 $0x2, v3  }
0x58: {  	s8 =	sand.u32 $0x380, s7;
	s1 =	sor.u32 s1, s5  }
0x59: {  	s0 =	sand.u32 $0x70, s10;
	s1 =	sor.u32 s8, s1  }
0x5a: {  	s9 =	simm.s32 $0x30;
	s10 =	simm.s32 $0x180;
	s0 =	sor.u32 s0, s1  }
0x5b: {  	s7 =	simm.s32 $0xC;
	s5 =	sand.u32 $0x3000, s9;
	s4 =	sand.u32 $0xC00, s10;
	v7 =	vld [tilespmem:s0+$0x100];
	v6 =	vmul.u32 $0x3, v4  }
0x5c: {  	s4 =	sor.u32 s4, s5;
	s5 =	sand.u32 $0x380, s7;
	v4 =	vadd.s32 $0x1, v3;
	v9 =	vld.idx.msk [tilespmem:v5+s18+$0x0], $0xffff  }
0x5d: {  	s3 =	sand.u32 $0x70, s9;
	s1 =	sor.u32 s5, s4;
	v8 =	vadd.s32 $0x2, v6  }
0x5e: {  	s7 =	simm.s32 $0x200;
	s1 =	sor.u32 s3, s1;
	s3 =	simm.s32 $0x40  }
0x5f: {  	s9 =	sand.u32 $0xC00, s7;
	s4 =	simm.s32 $0x10;
	s8 =	sand.u32 $0x3000, s3;
	v11 =	vld.idx.msk [tilespmem:v3+s18+$0x0], $0xffff  }
0x60: {  	s10 =	sand.u32 $0x380, s4;
	v10 =	vld [tilespmem:s1+$0x100];
	s5 =	sor.u32 s9, s8;
	v5 =	vmul.u32 $0x3, v7  }
0x61: {  	s3 =	sand.u32 $0x70, s3;
	s5 =	sor.u32 s10, s5;
	v3 =	vld.idx.msk [tilespmem:v4+s18+$0x0], $0xffff;
	[tilespmem:s31+$0xC100] =	vst v9;
	v9 =	vadd.s32 $0x1, v6  }
0x62: {  	s3 =	sor.u32 s3, s5;
	v4 =	vld.idx.msk [tilespmem:v8+s18+$0x0], $0xffff;
	v8 =	vadd.s32 $0x2, v5  }
0x63: {  	v7 =	vld [tilespmem:s3+$0x100]  }
0x64: {  	s7 =	simm.s32 $0x280;
	s5 =	simm.s32 $0x50;
	[tilespmem:s31+$0x6100] =	vst v11;
	v6 =	vld.idx.msk [tilespmem:v6+s18+$0x0], $0xffff  }
.LBB2_2:
0x65: {  	s8 =	sand.u32 $0x3000, s5  }
0x66: {  	s9 =	sand.u32 $0xC00, s7;
	s4 =	sadd.s32 $0x4, s4;
	v11 =	vmul.u32 $0x3, v10;
	[tilespmem:s31+$0x9100] =	vst v3;
	v3 =	vld.idx.msk [tilespmem:v9+s18+$0x0], $0xffff;
	p0 =	sne.s32 s5, $0x2FF0  }
.Ltmp0:
0x67: {  	v9 =	vadd.s32 $0x1, v5;
	s8 =	sor.u32 s9, s8;
	s9 =	sand.u32 $0x380, s4;
	[tilespmem:s30+$0xC100] =	vst v4;
	v4 =	vld.idx.msk [tilespmem:v8+s18+$0x0], $0xffff;
	(pc) =	sbr.rel @p0 .LBB2_2-.Ltmp0, $4  }
0x68: {  	s10 =	sand.u32 $0x70, s5;
	s31 =	smov.u32 s30;
	s8 =	sor.u32 s9, s8;
	v8 =	vadd.s32 $0x2, v11  }
0x69: {  	s5 =	sadd.s32 $0x10, s5;
	s8 =	sor.u32 s10, s8;
	v10 =	vmov v7  }
0x6a: {  	s30 =	smov.u32 s0;
	s0 =	smov.u32 s1;
	s1 =	smov.u32 s3;
	v7 =	vld [tilespmem:s8+$0x100]  }
0x6b: {  	s7 =	sadd.s32 $0x80, s7;
	s3 =	smov.u32 s8;
	[tilespmem:s31+$0x6100] =	vst v6;
	v6 =	vld.idx.msk [tilespmem:v5+s18+$0x0], $0xffff;
	v5 =	vmov v11  }
0x6c: {  	_ =	sdelay $0x2  }
0x6d: {  	v10 =	vmul.u32 $0x3, v10;
	v11 =	vadd.s32 $0x1, v5  }
0x6e: {  	v9 =	vld.idx.msk [tilespmem:v9+s18+$0x0], $0xffff  }
0x6f: {  	v12 =	vadd.s32 $0x2, v10;
	v7 =	vmul.u32 $0x3, v7  }
0x70: {  	v8 =	vld.idx.msk [tilespmem:v8+s18+$0x0], $0xffff;
	v13 =	vadd.s32 $0x1, v10  }
0x71: {  	[tilespmem:s31+$0x9100] =	vst v3;
	v3 =	vld.idx.msk [tilespmem:v5+s18+$0x0], $0xffff;
	v5 =	vadd.s32 $0x2, v7  }
0x72: {  	[tilespmem:s30+$0xC100] =	vst v4;
	v4 =	vld.idx.msk [tilespmem:v11+s18+$0x0], $0xffff  }
0x73: {  	v11 =	vadd.s32 $0x1, v7;
	[tilespmem:s30+$0x9100] =	vst v9;
	v9 =	vld.idx.msk [tilespmem:v10+s18+$0x0], $0xffff  }
0x74: {  	[tilespmem:s30+$0x6100] =	vst v6;
	v6 =	vld.idx.msk [tilespmem:v12+s18+$0x0], $0xffff  }
0x75: {  	[tilespmem:s0+$0xC100] =	vst v8;
	v8 =	vld.idx.msk [tilespmem:v13+s18+$0x0], $0xffff  }
0x76: {  	[tilespmem:s0+$0x6100] =	vst v3;
	v3 =	vld.idx.msk [tilespmem:v5+s18+$0x0], $0xffff  }
0x77: {  	[tilespmem:s0+$0x9100] =	vst v4;
	v4 =	vld.idx.msk [tilespmem:v7+s18+$0x0], $0xffff  }
0x78: {  	v5 =	vld.idx.msk [tilespmem:v11+s18+$0x0], $0xffff;
	[tilespmem:s1+$0x6100] =	vst v9  }
0x79: {  	[tilespmem:s1+$0xC100] =	vst v6  }
0x7a: {  	[tilespmem:s1+$0x9100] =	vst v8  }
0x7b: {  	[tilespmem:s3+$0xC100] =	vst v3  }
0x7c: {  	[tilespmem:s3+$0x6100] =	vst v4  }
0x7d: {  	[tilespmem:s3+$0x9100] =	vst v5  }
0x7e: {  	[hbm4b:s6+s13] =	stream.strided.scatter [tilespmem:s19], [sflag:$0x3], $0x3000, s14, s13, $0x38;
	[tilespmem:$0x18100] =	vst v63  }
0x7f: {  	s0 =	rddreg [dreg:$0x7]  }
0x80: {  	[hbm4b:s0+s13] =	stream.strided.scatter [tilespmem:s20], [sflag:$0x3], $0x3000, s14, s13, $0x38;
	[tilespmem:$0x18100] =	vst v63  }
0x81: {  	s8 =	simm.s32 $0x0;
	s5 =	rddreg [dreg:$0x8]  }
0x82: {  	[hbm4b:s5+s13] =	stream.strided.scatter [tilespmem:s21], [sflag:$0x3], $0x3000, s14, s13, $0x38;
	[tilespmem:$0x18100] =	vst v63  }
0x83: {  	s9 =	sand.u32 $0x3000, s8;
	s10 =	sand.u32 $0xC00, s8;
	s7 =	rddreg [dreg:$0x9]  }
0x84: {  	[tilespmem:s15], [sflag:$0x1] =	stream.strided.gather [hbm4b:s7+s13], $0x3000, s14, s13, $0x38;
	[tilespmem:$0x18100] =	vst v63  }
0x85: {  	s4 =	sand.u32 $0x380, s8;
	s1 =	sor.u32 s10, s9;
	_ =	swait.ge [sflag:s22], $0x3000  }
0x86: {  	s1 =	sor.u32 s4, s1;
	s0 =	sand.u32 $0x70, s8;
	[sflag:s22] =	ssyncset.done $0x0  }
0x87: {  	s31 =	sor.u32 s0, s1;
	[sflag:s22] =	ssyncadd.s32 $0xFFFFD000  }
0x88: {  	v3 =	vld [tilespmem:s31+$0x3100]  }
0x89: {  	s5 =	simm.s32 $0x10;
	s7 =	simm.s32 $0x80  }
0x8a: {  	s4 =	simm.s32 $0x4;
	s8 =	sand.u32 $0x3000, s5;
	s1 =	sand.u32 $0xC00, s7  }
0x8b: {  	s9 =	sand.u32 $0x380, s4;
	s1 =	sor.u32 s1, s8  }
0x8c: {  	s0 =	sand.u32 $0x70, s5;
	s1 =	sor.u32 s9, s1  }
0x8d: {  	s30 =	sor.u32 s0, s1;
	v3 =	vmul.u32 $0x3, v3  }
0x8e: {  	s10 =	simm.s32 $0x20;
	s4 =	simm.s32 $0x100;
	v4 =	vld [tilespmem:s30+$0x3100]  }
0x8f: {  	s5 =	sand.u32 $0x3000, s10;
	s7 =	simm.s32 $0x8;
	s1 =	sand.u32 $0xC00, s4;
	v5 =	vadd.s32 $0x2, v3  }
0x90: {  	s8 =	sand.u32 $0x380, s7;
	s1 =	sor.u32 s1, s5  }
0x91: {  	s0 =	sand.u32 $0x70, s10;
	s1 =	sor.u32 s8, s1  }
0x92: {  	s9 =	simm.s32 $0x30;
	s10 =	simm.s32 $0x180;
	s0 =	sor.u32 s0, s1  }
0x93: {  	s7 =	simm.s32 $0xC;
	s5 =	sand.u32 $0x3000, s9;
	s4 =	sand.u32 $0xC00, s10;
	v7 =	vld [tilespmem:s0+$0x3100];
	v6 =	vmul.u32 $0x3, v4  }
0x94: {  	s4 =	sor.u32 s4, s5;
	s5 =	sand.u32 $0x380, s7;
	v4 =	vadd.s32 $0x1, v3;
	v9 =	vld.idx.msk [tilespmem:v5+s18+$0x0], $0xffff  }
0x95: {  	s3 =	sand.u32 $0x70, s9;
	s1 =	sor.u32 s5, s4;
	v8 =	vadd.s32 $0x2, v6  }
0x96: {  	s7 =	simm.s32 $0x200;
	s1 =	sor.u32 s3, s1;
	s3 =	simm.s32 $0x40  }
0x97: {  	s9 =	sand.u32 $0xC00, s7;
	s4 =	simm.s32 $0x10;
	s8 =	sand.u32 $0x3000, s3;
	v11 =	vld.idx.msk [tilespmem:v3+s18+$0x0], $0xffff  }
0x98: {  	s10 =	sand.u32 $0x380, s4;
	v10 =	vld [tilespmem:s1+$0x3100];
	s5 =	sor.u32 s9, s8;
	v5 =	vmul.u32 $0x3, v7  }
0x99: {  	s3 =	sand.u32 $0x70, s3;
	s5 =	sor.u32 s10, s5;
	v3 =	vld.idx.msk [tilespmem:v4+s18+$0x0], $0xffff;
	[tilespmem:s31+$0x15100] =	vst v9;
	v9 =	vadd.s32 $0x1, v6  }
0x9a: {  	s3 =	sor.u32 s3, s5;
	v4 =	vld.idx.msk [tilespmem:v8+s18+$0x0], $0xffff;
	v8 =	vadd.s32 $0x2, v5  }
0x9b: {  	v7 =	vld [tilespmem:s3+$0x3100]  }
0x9c: {  	s7 =	simm.s32 $0x280;
	s5 =	simm.s32 $0x50;
	[tilespmem:s31+$0xF100] =	vst v11;
	v6 =	vld.idx.msk [tilespmem:v6+s18+$0x0], $0xffff  }
.LBB2_4:
0x9d: {  	s8 =	sand.u32 $0x3000, s5  }
0x9e: {  	s9 =	sand.u32 $0xC00, s7;
	s4 =	sadd.s32 $0x4, s4;
	v11 =	vmul.u32 $0x3, v10;
	[tilespmem:s31+$0x12100] =	vst v3;
	v3 =	vld.idx.msk [tilespmem:v9+s18+$0x0], $0xffff;
	p0 =	sne.s32 s5, $0x2FF0  }
.Ltmp1:
0x9f: {  	v9 =	vadd.s32 $0x1, v5;
	s8 =	sor.u32 s9, s8;
	s9 =	sand.u32 $0x380, s4;
	[tilespmem:s30+$0x15100] =	vst v4;
	v4 =	vld.idx.msk [tilespmem:v8+s18+$0x0], $0xffff;
	(pc) =	sbr.rel @p0 .LBB2_4-.Ltmp1, $4  }
0xa0: {  	s10 =	sand.u32 $0x70, s5;
	s31 =	smov.u32 s30;
	s8 =	sor.u32 s9, s8;
	v8 =	vadd.s32 $0x2, v11  }
0xa1: {  	s5 =	sadd.s32 $0x10, s5;
	s8 =	sor.u32 s10, s8;
	v10 =	vmov v7  }
0xa2: {  	s30 =	smov.u32 s0;
	s0 =	smov.u32 s1;
	s1 =	smov.u32 s3;
	v7 =	vld [tilespmem:s8+$0x3100]  }
0xa3: {  	s7 =	sadd.s32 $0x80, s7;
	s3 =	smov.u32 s8;
	[tilespmem:s31+$0xF100] =	vst v6;
	v6 =	vld.idx.msk [tilespmem:v5+s18+$0x0], $0xffff;
	v5 =	vmov v11  }
0xa4: {  	_ =	sdelay $0x2  }
0xa5: {  	v10 =	vmul.u32 $0x3, v10;
	v11 =	vadd.s32 $0x1, v5  }
0xa6: {  	v9 =	vld.idx.msk [tilespmem:v9+s18+$0x0], $0xffff  }
0xa7: {  	v12 =	vadd.s32 $0x2, v10;
	v7 =	vmul.u32 $0x3, v7  }
0xa8: {  	v8 =	vld.idx.msk [tilespmem:v8+s18+$0x0], $0xffff;
	v13 =	vadd.s32 $0x1, v10  }
0xa9: {  	[tilespmem:s31+$0x12100] =	vst v3;
	v3 =	vld.idx.msk [tilespmem:v5+s18+$0x0], $0xffff;
	v5 =	vadd.s32 $0x2, v7  }
0xaa: {  	[tilespmem:s30+$0x15100] =	vst v4;
	v4 =	vld.idx.msk [tilespmem:v11+s18+$0x0], $0xffff  }
0xab: {  	v11 =	vadd.s32 $0x1, v7;
	[tilespmem:s30+$0x12100] =	vst v9;
	v9 =	vld.idx.msk [tilespmem:v10+s18+$0x0], $0xffff  }
0xac: {  	[tilespmem:s30+$0xF100] =	vst v6;
	v6 =	vld.idx.msk [tilespmem:v12+s18+$0x0], $0xffff  }
0xad: {  	[tilespmem:s0+$0x15100] =	vst v8;
	v8 =	vld.idx.msk [tilespmem:v13+s18+$0x0], $0xffff  }
0xae: {  	[tilespmem:s0+$0xF100] =	vst v3;
	v3 =	vld.idx.msk [tilespmem:v5+s18+$0x0], $0xffff  }
0xaf: {  	[tilespmem:s0+$0x12100] =	vst v4;
	v4 =	vld.idx.msk [tilespmem:v7+s18+$0x0], $0xffff  }
0xb0: {  	v5 =	vld.idx.msk [tilespmem:v11+s18+$0x0], $0xffff;
	[tilespmem:s1+$0xF100] =	vst v9  }
0xb1: {  	[tilespmem:s1+$0x15100] =	vst v6  }
0xb2: {  	[tilespmem:s1+$0x12100] =	vst v8  }
0xb3: {  	[tilespmem:s3+$0x15100] =	vst v3  }
0xb4: {  	[tilespmem:s3+$0xF100] =	vst v4  }
0xb5: {  	[tilespmem:s3+$0x12100] =	vst v5  }
0xb6: {  	s0 =	rddreg [dreg:$0xa]  }
0xb7: {  	[hbm4b:s0+s13] =	stream.strided.scatter [tilespmem:s23], [sflag:$0x4], $0x3000, s14, s13, $0x38;
	[tilespmem:$0x18100] =	vst v63  }
0xb8: {  	s4 =	rddreg [dreg:$0x18]  }
0xb9: {  	[hbm4b:s4+s13] =	stream.strided.scatter [tilespmem:s24], [sflag:$0x4], $0x3000, s14, s13, $0x38;
	[tilespmem:$0x18100] =	vst v63  }
0xba: {  	s5 =	rddreg [dreg:$0x1a]  }
0xbb: {  	[hbm4b:s5+s13] =	stream.strided.scatter [tilespmem:s25], [sflag:$0x4], $0x3000, s14, s13, $0x38;
	[tilespmem:$0x18100] =	vst v63  }
0xbc: {  	s7 =	rddreg [dreg:$0xb]  }
0xbd: {  	[tilespmem:s16], [sflag:$0x2] =	stream.strided.gather [hbm4b:s7+s13], $0x3000, s14, s13, $0x38;
	[tilespmem:$0x18100] =	vst v63  }
0xbe: {  	_ =	swait.ge [sflag:s17], $0x3000  }
0xbf: {  	[sflag:s17] =	ssyncset.done $0x0  }
0xc0: {  	[sflag:s17] =	ssyncadd.s32 $0xFFFFD000  }
0xc1: {  	_ =	swait.ge [sflag:s26], $0x3000  }
0xc2: {  	[sflag:s26] =	ssyncset.done $0x0  }
0xc3: {  	[sflag:s26] =	ssyncadd.s32 $0xFFFFD000  }
0xc4: {  	_ =	swait.ge [sflag:s26], $0x3000  }
0xc5: {  	s8 =	simm.s32 $0x0;
	[sflag:s26] =	ssyncset.done $0x0  }
0xc6: {  	s9 =	sand.u32 $0x3000, s8;
	s10 =	sand.u32 $0xC00, s8;
	[sflag:s26] =	ssyncadd.s32 $0xFFFFD000  }
0xc7: {  	s1 =	sor.u32 s10, s9;
	s4 =	sand.u32 $0x380, s8;
	_ =	swait.ge [sflag:s26], $0x3000  }
0xc8: {  	s0 =	sand.u32 $0x70, s8;
	s1 =	sor.u32 s4, s1;
	[sflag:s26] =	ssyncset.done $0x0  }
0xc9: {  	s31 =	sor.u32 s0, s1;
	[sflag:s26] =	ssyncadd.s32 $0xFFFFD000  }
0xca: {  	v3 =	vld [tilespmem:s31+$0x100]  }
0xcb: {  	s5 =	simm.s32 $0x10;
	s7 =	simm.s32 $0x80  }
0xcc: {  	s4 =	simm.s32 $0x4;
	s8 =	sand.u32 $0x3000, s5;
	s1 =	sand.u32 $0xC00, s7  }
0xcd: {  	s9 =	sand.u32 $0x380, s4;
	s1 =	sor.u32 s1, s8  }
0xce: {  	s0 =	sand.u32 $0x70, s5;
	s1 =	sor.u32 s9, s1  }
0xcf: {  	s30 =	sor.u32 s0, s1;
	v3 =	vmul.u32 $0x3, v3  }
0xd0: {  	s10 =	simm.s32 $0x20;
	s4 =	simm.s32 $0x100;
	v4 =	vld [tilespmem:s30+$0x100]  }
0xd1: {  	s5 =	sand.u32 $0x3000, s10;
	s7 =	simm.s32 $0x8;
	s1 =	sand.u32 $0xC00, s4;
	v5 =	vadd.s32 $0x2, v3  }
0xd2: {  	s8 =	sand.u32 $0x380, s7;
	s1 =	sor.u32 s1, s5  }
0xd3: {  	s0 =	sand.u32 $0x70, s10;
	s1 =	sor.u32 s8, s1  }
0xd4: {  	s9 =	simm.s32 $0x30;
	s10 =	simm.s32 $0x180;
	s0 =	sor.u32 s0, s1  }
0xd5: {  	s7 =	simm.s32 $0xC;
	s5 =	sand.u32 $0x3000, s9;
	s4 =	sand.u32 $0xC00, s10;
	v7 =	vld [tilespmem:s0+$0x100];
	v6 =	vmul.u32 $0x3, v4  }
0xd6: {  	s4 =	sor.u32 s4, s5;
	s5 =	sand.u32 $0x380, s7;
	v4 =	vadd.s32 $0x1, v3;
	v9 =	vld.idx.msk [tilespmem:v5+s18+$0x0], $0xffff  }
0xd7: {  	s3 =	sand.u32 $0x70, s9;
	s1 =	sor.u32 s5, s4;
	v8 =	vadd.s32 $0x2, v6  }
0xd8: {  	s7 =	simm.s32 $0x200;
	s1 =	sor.u32 s3, s1;
	s3 =	simm.s32 $0x40  }
0xd9: {  	s9 =	sand.u32 $0xC00, s7;
	s4 =	simm.s32 $0x10;
	s8 =	sand.u32 $0x3000, s3;
	v11 =	vld.idx.msk [tilespmem:v3+s18+$0x0], $0xffff  }
0xda: {  	s10 =	sand.u32 $0x380, s4;
	s5 =	sor.u32 s9, s8;
	v10 =	vld [tilespmem:s1+$0x100];
	v5 =	vmul.u32 $0x3, v7  }
0xdb: {  	s3 =	sand.u32 $0x70, s3;
	s5 =	sor.u32 s10, s5;
	v3 =	vld.idx.msk [tilespmem:v4+s18+$0x0], $0xffff;
	[tilespmem:s31+$0xC100] =	vst v9;
	v9 =	vadd.s32 $0x1, v6  }
0xdc: {  	s3 =	sor.u32 s3, s5;
	v4 =	vld.idx.msk [tilespmem:v8+s18+$0x0], $0xffff;
	v8 =	vadd.s32 $0x2, v5  }
0xdd: {  	v7 =	vld [tilespmem:s3+$0x100]  }
0xde: {  	s7 =	simm.s32 $0x280;
	s5 =	simm.s32 $0x50;
	[tilespmem:s31+$0x6100] =	vst v11;
	v6 =	vld.idx.msk [tilespmem:v6+s18+$0x0], $0xffff  }
.LBB2_6:
0xdf: {  	s8 =	sand.u32 $0x3000, s5  }
0xe0: {  	s9 =	sand.u32 $0xC00, s7;
	s4 =	sadd.s32 $0x4, s4;
	v11 =	vmul.u32 $0x3, v10;
	[tilespmem:s31+$0x9100] =	vst v3;
	v3 =	vld.idx.msk [tilespmem:v9+s18+$0x0], $0xffff;
	p0 =	sne.s32 s5, $0x2FF0  }
.Ltmp2:
0xe1: {  	v9 =	vadd.s32 $0x1, v5;
	s8 =	sor.u32 s9, s8;
	s9 =	sand.u32 $0x380, s4;
	[tilespmem:s30+$0xC100] =	vst v4;
	v4 =	vld.idx.msk [tilespmem:v8+s18+$0x0], $0xffff;
	(pc) =	sbr.rel @p0 .LBB2_6-.Ltmp2, $4  }
0xe2: {  	s10 =	sand.u32 $0x70, s5;
	s31 =	smov.u32 s30;
	s8 =	sor.u32 s9, s8;
	v8 =	vadd.s32 $0x2, v11  }
0xe3: {  	s5 =	sadd.s32 $0x10, s5;
	s8 =	sor.u32 s10, s8;
	v10 =	vmov v7  }
0xe4: {  	s30 =	smov.u32 s0;
	s0 =	smov.u32 s1;
	s1 =	smov.u32 s3;
	v7 =	vld [tilespmem:s8+$0x100]  }
0xe5: {  	s7 =	sadd.s32 $0x80, s7;
	s3 =	smov.u32 s8;
	[tilespmem:s31+$0x6100] =	vst v6;
	v6 =	vld.idx.msk [tilespmem:v5+s18+$0x0], $0xffff;
	v5 =	vmov v11  }
0xe6: {  	_ =	sdelay $0x2  }
0xe7: {  	v10 =	vmul.u32 $0x3, v10;
	v11 =	vadd.s32 $0x1, v5  }
0xe8: {  	v9 =	vld.idx.msk [tilespmem:v9+s18+$0x0], $0xffff  }
0xe9: {  	v12 =	vadd.s32 $0x2, v10;
	v7 =	vmul.u32 $0x3, v7  }
0xea: {  	v8 =	vld.idx.msk [tilespmem:v8+s18+$0x0], $0xffff;
	v13 =	vadd.s32 $0x1, v10  }
0xeb: {  	[tilespmem:s31+$0x9100] =	vst v3;
	v3 =	vld.idx.msk [tilespmem:v5+s18+$0x0], $0xffff;
	v5 =	vadd.s32 $0x2, v7  }
0xec: {  	[tilespmem:s30+$0xC100] =	vst v4;
	v4 =	vld.idx.msk [tilespmem:v11+s18+$0x0], $0xffff  }
0xed: {  	v11 =	vadd.s32 $0x1, v7;
	[tilespmem:s30+$0x9100] =	vst v9;
	v9 =	vld.idx.msk [tilespmem:v10+s18+$0x0], $0xffff  }
0xee: {  	[tilespmem:s30+$0x6100] =	vst v6;
	v6 =	vld.idx.msk [tilespmem:v12+s18+$0x0], $0xffff  }
0xef: {  	[tilespmem:s0+$0xC100] =	vst v8;
	v8 =	vld.idx.msk [tilespmem:v13+s18+$0x0], $0xffff  }
0xf0: {  	[tilespmem:s0+$0x6100] =	vst v3;
	v3 =	vld.idx.msk [tilespmem:v5+s18+$0x0], $0xffff  }
0xf1: {  	[tilespmem:s0+$0x9100] =	vst v4;
	v4 =	vld.idx.msk [tilespmem:v7+s18+$0x0], $0xffff  }
0xf2: {  	v5 =	vld.idx.msk [tilespmem:v11+s18+$0x0], $0xffff;
	[tilespmem:s1+$0x6100] =	vst v9  }
0xf3: {  	[tilespmem:s1+$0xC100] =	vst v6  }
0xf4: {  	[tilespmem:s1+$0x9100] =	vst v8  }
0xf5: {  	[tilespmem:s3+$0xC100] =	vst v3  }
0xf6: {  	[tilespmem:s3+$0x6100] =	vst v4  }
0xf7: {  	[tilespmem:s3+$0x9100] =	vst v5  }
0xf8: {  	s0 =	rddreg [dreg:$0xc]  }
0xf9: {  	[hbm4b:s0+s13] =	stream.strided.scatter [tilespmem:s19], [sflag:$0x3], $0x3000, s14, s13, $0x38;
	[tilespmem:$0x18100] =	vst v63  }
0xfa: {  	s4 =	rddreg [dreg:$0x1b]  }
0xfb: {  	[hbm4b:s4+s13] =	stream.strided.scatter [tilespmem:s20], [sflag:$0x3], $0x3000, s14, s13, $0x38;
	[tilespmem:$0x18100] =	vst v63  }
0xfc: {  	s5 =	rddreg [dreg:$0x1c]  }
0xfd: {  	[hbm4b:s5+s13] =	stream.strided.scatter [tilespmem:s21], [sflag:$0x3], $0x3000, s14, s13, $0x38;
	[tilespmem:$0x18100] =	vst v63  }
0xfe: {  	s7 =	rddreg [dreg:$0xd]  }
0xff: {  	[tilespmem:s15], [sflag:$0x1] =	stream.strided.gather [hbm4b:s7+s13], $0x3000, s14, s13, $0x38;
	[tilespmem:$0x18100] =	vst v63  }
0x100: {  	_ =	swait.ge [sflag:s22], $0x3000  }
0x101: {  	[sflag:s22] =	ssyncset.done $0x0  }
0x102: {  	[sflag:s22] =	ssyncadd.s32 $0xFFFFD000  }
0x103: {  	_ =	swait.ge [sflag:s28], $0x3000  }
0x104: {  	[sflag:s28] =	ssyncset.done $0x0  }
0x105: {  	[sflag:s28] =	ssyncadd.s32 $0xFFFFD000  }
0x106: {  	_ =	swait.ge [sflag:s28], $0x3000  }
0x107: {  	s8 =	simm.s32 $0x0;
	[sflag:s28] =	ssyncset.done $0x0  }
0x108: {  	s9 =	sand.u32 $0x3000, s8;
	s10 =	sand.u32 $0xC00, s8;
	[sflag:s28] =	ssyncadd.s32 $0xFFFFD000  }
0x109: {  	s1 =	sor.u32 s10, s9;
	s4 =	sand.u32 $0x380, s8;
	_ =	swait.ge [sflag:s28], $0x3000  }
0x10a: {  	s0 =	sand.u32 $0x70, s8;
	s1 =	sor.u32 s4, s1;
	[sflag:s28] =	ssyncset.done $0x0  }
0x10b: {  	s31 =	sor.u32 s0, s1;
	[sflag:s28] =	ssyncadd.s32 $0xFFFFD000  }
0x10c: {  	v3 =	vld [tilespmem:s31+$0x3100]  }
0x10d: {  	s5 =	simm.s32 $0x10;
	s7 =	simm.s32 $0x80  }
0x10e: {  	s4 =	simm.s32 $0x4;
	s8 =	sand.u32 $0x3000, s5;
	s1 =	sand.u32 $0xC00, s7  }
0x10f: {  	s9 =	sand.u32 $0x380, s4;
	s1 =	sor.u32 s1, s8  }
0x110: {  	s0 =	sand.u32 $0x70, s5;
	s1 =	sor.u32 s9, s1  }
0x111: {  	s30 =	sor.u32 s0, s1;
	v3 =	vmul.u32 $0x3, v3  }
0x112: {  	s10 =	simm.s32 $0x20;
	s4 =	simm.s32 $0x100;
	v4 =	vld [tilespmem:s30+$0x3100]  }
0x113: {  	s5 =	sand.u32 $0x3000, s10;
	s7 =	simm.s32 $0x8;
	s1 =	sand.u32 $0xC00, s4;
	v5 =	vadd.s32 $0x2, v3  }
0x114: {  	s8 =	sand.u32 $0x380, s7;
	s1 =	sor.u32 s1, s5  }
0x115: {  	s0 =	sand.u32 $0x70, s10;
	s1 =	sor.u32 s8, s1  }
0x116: {  	s9 =	simm.s32 $0x30;
	s10 =	simm.s32 $0x180;
	s0 =	sor.u32 s0, s1  }
0x117: {  	s7 =	simm.s32 $0xC;
	s5 =	sand.u32 $0x3000, s9;
	s4 =	sand.u32 $0xC00, s10;
	v7 =	vld [tilespmem:s0+$0x3100];
	v6 =	vmul.u32 $0x3, v4  }
0x118: {  	s4 =	sor.u32 s4, s5;
	s5 =	sand.u32 $0x380, s7;
	v4 =	vadd.s32 $0x1, v3;
	v9 =	vld.idx.msk [tilespmem:v5+s18+$0x0], $0xffff  }
0x119: {  	s3 =	sand.u32 $0x70, s9;
	s1 =	sor.u32 s5, s4;
	v8 =	vadd.s32 $0x2, v6  }
0x11a: {  	s7 =	simm.s32 $0x200;
	s1 =	sor.u32 s3, s1;
	s3 =	simm.s32 $0x40  }
0x11b: {  	s9 =	sand.u32 $0xC00, s7;
	s4 =	simm.s32 $0x10;
	s8 =	sand.u32 $0x3000, s3;
	v11 =	vld.idx.msk [tilespmem:v3+s18+$0x0], $0xffff  }
0x11c: {  	s10 =	sand.u32 $0x380, s4;
	s5 =	sor.u32 s9, s8;
	v10 =	vld [tilespmem:s1+$0x3100];
	v5 =	vmul.u32 $0x3, v7  }
0x11d: {  	s3 =	sand.u32 $0x70, s3;
	s5 =	sor.u32 s10, s5;
	v3 =	vld.idx.msk [tilespmem:v4+s18+$0x0], $0xffff;
	[tilespmem:s31+$0x15100] =	vst v9;
	v9 =	vadd.s32 $0x1, v6  }
0x11e: {  	s3 =	sor.u32 s3, s5;
	v4 =	vld.idx.msk [tilespmem:v8+s18+$0x0], $0xffff;
	v8 =	vadd.s32 $0x2, v5  }
0x11f: {  	v7 =	vld [tilespmem:s3+$0x3100]  }
0x120: {  	s7 =	simm.s32 $0x280;
	s5 =	simm.s32 $0x50;
	[tilespmem:s31+$0xF100] =	vst v11;
	v6 =	vld.idx.msk [tilespmem:v6+s18+$0x0], $0xffff  }
.LBB2_8:
0x121: {  	s8 =	sand.u32 $0x3000, s5  }
0x122: {  	s9 =	sand.u32 $0xC00, s7;
	s4 =	sadd.s32 $0x4, s4;
	v11 =	vmul.u32 $0x3, v10;
	[tilespmem:s31+$0x12100] =	vst v3;
	v3 =	vld.idx.msk [tilespmem:v9+s18+$0x0], $0xffff;
	p0 =	sne.s32 s5, $0x2FF0  }
.Ltmp3:
0x123: {  	v9 =	vadd.s32 $0x1, v5;
	s8 =	sor.u32 s9, s8;
	s9 =	sand.u32 $0x380, s4;
	[tilespmem:s30+$0x15100] =	vst v4;
	v4 =	vld.idx.msk [tilespmem:v8+s18+$0x0], $0xffff;
	(pc) =	sbr.rel @p0 .LBB2_8-.Ltmp3, $4  }
0x124: {  	s10 =	sand.u32 $0x70, s5;
	s31 =	smov.u32 s30;
	s8 =	sor.u32 s9, s8;
	v8 =	vadd.s32 $0x2, v11  }
0x125: {  	s5 =	sadd.s32 $0x10, s5;
	s8 =	sor.u32 s10, s8;
	v10 =	vmov v7  }
0x126: {  	s30 =	smov.u32 s0;
	s0 =	smov.u32 s1;
	s1 =	smov.u32 s3;
	v7 =	vld [tilespmem:s8+$0x3100]  }
0x127: {  	s7 =	sadd.s32 $0x80, s7;
	s3 =	smov.u32 s8;
	[tilespmem:s31+$0xF100] =	vst v6;
	v6 =	vld.idx.msk [tilespmem:v5+s18+$0x0], $0xffff;
	v5 =	vmov v11  }
0x128: {  	_ =	sdelay $0x2  }
0x129: {  	v10 =	vmul.u32 $0x3, v10;
	v11 =	vadd.s32 $0x1, v5  }
0x12a: {  	v9 =	vld.idx.msk [tilespmem:v9+s18+$0x0], $0xffff  }
0x12b: {  	v12 =	vadd.s32 $0x2, v10;
	v7 =	vmul.u32 $0x3, v7  }
0x12c: {  	v8 =	vld.idx.msk [tilespmem:v8+s18+$0x0], $0xffff;
	v13 =	vadd.s32 $0x1, v10  }
0x12d: {  	[tilespmem:s31+$0x12100] =	vst v3;
	v3 =	vld.idx.msk [tilespmem:v5+s18+$0x0], $0xffff;
	v5 =	vadd.s32 $0x2, v7  }
0x12e: {  	[tilespmem:s30+$0x15100] =	vst v4;
	v4 =	vld.idx.msk [tilespmem:v11+s18+$0x0], $0xffff  }
0x12f: {  	v11 =	vadd.s32 $0x1, v7;
	[tilespmem:s30+$0x12100] =	vst v9;
	v9 =	vld.idx.msk [tilespmem:v10+s18+$0x0], $0xffff  }
0x130: {  	[tilespmem:s30+$0xF100] =	vst v6;
	v6 =	vld.idx.msk [tilespmem:v12+s18+$0x0], $0xffff  }
0x131: {  	[tilespmem:s0+$0x15100] =	vst v8;
	v8 =	vld.idx.msk [tilespmem:v13+s18+$0x0], $0xffff  }
0x132: {  	[tilespmem:s0+$0xF100] =	vst v3;
	v3 =	vld.idx.msk [tilespmem:v5+s18+$0x0], $0xffff  }
0x133: {  	[tilespmem:s0+$0x12100] =	vst v4;
	v4 =	vld.idx.msk [tilespmem:v7+s18+$0x0], $0xffff  }
0x134: {  	v5 =	vld.idx.msk [tilespmem:v11+s18+$0x0], $0xffff;
	[tilespmem:s1+$0xF100] =	vst v9  }
0x135: {  	[tilespmem:s1+$0x15100] =	vst v6  }
0x136: {  	[tilespmem:s1+$0x12100] =	vst v8  }
0x137: {  	[tilespmem:s3+$0x15100] =	vst v3  }
0x138: {  	[tilespmem:s3+$0xF100] =	vst v4  }
0x139: {  	[tilespmem:s3+$0x12100] =	vst v5  }
0x13a: {  	s0 =	rddreg [dreg:$0xe]  }
0x13b: {  	[hbm4b:s0+s13] =	stream.strided.scatter [tilespmem:s23], [sflag:$0x4], $0x3000, s14, s13, $0x38;
	[tilespmem:$0x18100] =	vst v63  }
0x13c: {  	s4 =	rddreg [dreg:$0x1d]  }
0x13d: {  	[hbm4b:s4+s13] =	stream.strided.scatter [tilespmem:s24], [sflag:$0x4], $0x3000, s14, s13, $0x38;
	[tilespmem:$0x18100] =	vst v63  }
0x13e: {  	s5 =	rddreg [dreg:$0x1e]  }
0x13f: {  	[hbm4b:s5+s13] =	stream.strided.scatter [tilespmem:s25], [sflag:$0x4], $0x3000, s14, s13, $0x38;
	[tilespmem:$0x18100] =	vst v63  }
0x140: {  	s7 =	rddreg [dreg:$0xf]  }
0x141: {  	[tilespmem:s16], [sflag:$0x2] =	stream.strided.gather [hbm4b:s7+s13], $0x3000, s14, s13, $0x38;
	[tilespmem:$0x18100] =	vst v63  }
0x142: {  	_ =	swait.ge [sflag:s17], $0x3000  }
0x143: {  	[sflag:s17] =	ssyncset.done $0x0  }
0x144: {  	[sflag:s17] =	ssyncadd.s32 $0xFFFFD000  }
0x145: {  	_ =	swait.ge [sflag:s26], $0x3000  }
0x146: {  	[sflag:s26] =	ssyncset.done $0x0  }
0x147: {  	[sflag:s26] =	ssyncadd.s32 $0xFFFFD000  }
0x148: {  	_ =	swait.ge [sflag:s26], $0x3000  }
0x149: {  	s8 =	simm.s32 $0x0;
	[sflag:s26] =	ssyncset.done $0x0  }
0x14a: {  	s9 =	sand.u32 $0x3000, s8;
	s10 =	sand.u32 $0xC00, s8;
	[sflag:s26] =	ssyncadd.s32 $0xFFFFD000  }
0x14b: {  	s1 =	sor.u32 s10, s9;
	s4 =	sand.u32 $0x380, s8;
	_ =	swait.ge [sflag:s26], $0x3000  }
0x14c: {  	s0 =	sand.u32 $0x70, s8;
	s1 =	sor.u32 s4, s1;
	[sflag:s26] =	ssyncset.done $0x0  }
0x14d: {  	s31 =	sor.u32 s0, s1;
	[sflag:s26] =	ssyncadd.s32 $0xFFFFD000  }
0x14e: {  	v3 =	vld [tilespmem:s31+$0x100]  }
0x14f: {  	s5 =	simm.s32 $0x10;
	s7 =	simm.s32 $0x80  }
0x150: {  	s4 =	simm.s32 $0x4;
	s8 =	sand.u32 $0x3000, s5;
	s1 =	sand.u32 $0xC00, s7  }
0x151: {  	s9 =	sand.u32 $0x380, s4;
	s1 =	sor.u32 s1, s8  }
0x152: {  	s0 =	sand.u32 $0x70, s5;
	s1 =	sor.u32 s9, s1  }
0x153: {  	s30 =	sor.u32 s0, s1;
	v3 =	vmul.u32 $0x3, v3  }
0x154: {  	s10 =	simm.s32 $0x20;
	s4 =	simm.s32 $0x100;
	v4 =	vld [tilespmem:s30+$0x100]  }
0x155: {  	s5 =	sand.u32 $0x3000, s10;
	s7 =	simm.s32 $0x8;
	s1 =	sand.u32 $0xC00, s4;
	v5 =	vadd.s32 $0x2, v3  }
0x156: {  	s8 =	sand.u32 $0x380, s7;
	s1 =	sor.u32 s1, s5  }
0x157: {  	s0 =	sand.u32 $0x70, s10;
	s1 =	sor.u32 s8, s1  }
0x158: {  	s9 =	simm.s32 $0x30;
	s10 =	simm.s32 $0x180;
	s0 =	sor.u32 s0, s1  }
0x159: {  	s7 =	simm.s32 $0xC;
	s5 =	sand.u32 $0x3000, s9;
	s4 =	sand.u32 $0xC00, s10;
	v7 =	vld [tilespmem:s0+$0x100];
	v6 =	vmul.u32 $0x3, v4  }
0x15a: {  	s4 =	sor.u32 s4, s5;
	s5 =	sand.u32 $0x380, s7;
	v4 =	vadd.s32 $0x1, v3;
	v9 =	vld.idx.msk [tilespmem:v5+s18+$0x0], $0xffff  }
0x15b: {  	s3 =	sand.u32 $0x70, s9;
	s1 =	sor.u32 s5, s4;
	v8 =	vadd.s32 $0x2, v6  }
0x15c: {  	s7 =	simm.s32 $0x200;
	s1 =	sor.u32 s3, s1;
	s3 =	simm.s32 $0x40  }
0x15d: {  	s9 =	sand.u32 $0xC00, s7;
	s4 =	simm.s32 $0x10;
	s8 =	sand.u32 $0x3000, s3;
	v11 =	vld.idx.msk [tilespmem:v3+s18+$0x0], $0xffff  }
0x15e: {  	s10 =	sand.u32 $0x380, s4;
	s5 =	sor.u32 s9, s8;
	v10 =	vld [tilespmem:s1+$0x100];
	v5 =	vmul.u32 $0x3, v7  }
0x15f: {  	s3 =	sand.u32 $0x70, s3;
	s5 =	sor.u32 s10, s5;
	v3 =	vld.idx.msk [tilespmem:v4+s18+$0x0], $0xffff;
	[tilespmem:s31+$0xC100] =	vst v9;
	v9 =	vadd.s32 $0x1, v6  }
0x160: {  	s3 =	sor.u32 s3, s5;
	v4 =	vld.idx.msk [tilespmem:v8+s18+$0x0], $0xffff;
	v8 =	vadd.s32 $0x2, v5  }
0x161: {  	v7 =	vld [tilespmem:s3+$0x100]  }
0x162: {  	s7 =	simm.s32 $0x280;
	s5 =	simm.s32 $0x50;
	[tilespmem:s31+$0x6100] =	vst v11;
	v6 =	vld.idx.msk [tilespmem:v6+s18+$0x0], $0xffff  }
.LBB2_10:
0x163: {  	s8 =	sand.u32 $0x3000, s5  }
0x164: {  	s9 =	sand.u32 $0xC00, s7;
	s4 =	sadd.s32 $0x4, s4;
	v11 =	vmul.u32 $0x3, v10;
	[tilespmem:s31+$0x9100] =	vst v3;
	v3 =	vld.idx.msk [tilespmem:v9+s18+$0x0], $0xffff;
	p0 =	sne.s32 s5, $0x2FF0  }
.Ltmp4:
0x165: {  	v9 =	vadd.s32 $0x1, v5;
	s8 =	sor.u32 s9, s8;
	s9 =	sand.u32 $0x380, s4;
	[tilespmem:s30+$0xC100] =	vst v4;
	v4 =	vld.idx.msk [tilespmem:v8+s18+$0x0], $0xffff;
	(pc) =	sbr.rel @p0 .LBB2_10-.Ltmp4, $4  }
0x166: {  	s10 =	sand.u32 $0x70, s5;
	s31 =	smov.u32 s30;
	s8 =	sor.u32 s9, s8;
	v8 =	vadd.s32 $0x2, v11  }
0x167: {  	s5 =	sadd.s32 $0x10, s5;
	s8 =	sor.u32 s10, s8;
	v10 =	vmov v7  }
0x168: {  	s30 =	smov.u32 s0;
	s0 =	smov.u32 s1;
	s1 =	smov.u32 s3;
	v7 =	vld [tilespmem:s8+$0x100]  }
0x169: {  	s7 =	sadd.s32 $0x80, s7;
	s3 =	smov.u32 s8;
	[tilespmem:s31+$0x6100] =	vst v6;
	v6 =	vld.idx.msk [tilespmem:v5+s18+$0x0], $0xffff;
	v5 =	vmov v11  }
0x16a: {  	_ =	sdelay $0x2  }
0x16b: {  	v10 =	vmul.u32 $0x3, v10;
	v11 =	vadd.s32 $0x1, v5  }
0x16c: {  	v9 =	vld.idx.msk [tilespmem:v9+s18+$0x0], $0xffff  }
0x16d: {  	v12 =	vadd.s32 $0x2, v10;
	v7 =	vmul.u32 $0x3, v7  }
0x16e: {  	v8 =	vld.idx.msk [tilespmem:v8+s18+$0x0], $0xffff;
	v13 =	vadd.s32 $0x1, v10  }
0x16f: {  	[tilespmem:s31+$0x9100] =	vst v3;
	v3 =	vld.idx.msk [tilespmem:v5+s18+$0x0], $0xffff;
	v5 =	vadd.s32 $0x2, v7  }
0x170: {  	[tilespmem:s30+$0xC100] =	vst v4;
	v4 =	vld.idx.msk [tilespmem:v11+s18+$0x0], $0xffff  }
0x171: {  	v11 =	vadd.s32 $0x1, v7;
	[tilespmem:s30+$0x9100] =	vst v9;
	v9 =	vld.idx.msk [tilespmem:v10+s18+$0x0], $0xffff  }
0x172: {  	[tilespmem:s30+$0x6100] =	vst v6;
	v6 =	vld.idx.msk [tilespmem:v12+s18+$0x0], $0xffff  }
0x173: {  	[tilespmem:s0+$0xC100] =	vst v8;
	v8 =	vld.idx.msk [tilespmem:v13+s18+$0x0], $0xffff  }
0x174: {  	[tilespmem:s0+$0x6100] =	vst v3;
	v3 =	vld.idx.msk [tilespmem:v5+s18+$0x0], $0xffff  }
0x175: {  	[tilespmem:s0+$0x9100] =	vst v4;
	v4 =	vld.idx.msk [tilespmem:v7+s18+$0x0], $0xffff  }
0x176: {  	v5 =	vld.idx.msk [tilespmem:v11+s18+$0x0], $0xffff;
	[tilespmem:s1+$0x6100] =	vst v9  }
0x177: {  	[tilespmem:s1+$0xC100] =	vst v6  }
0x178: {  	[tilespmem:s1+$0x9100] =	vst v8  }
0x179: {  	[tilespmem:s3+$0xC100] =	vst v3  }
0x17a: {  	[tilespmem:s3+$0x6100] =	vst v4  }
0x17b: {  	[tilespmem:s3+$0x9100] =	vst v5  }
0x17c: {  	s0 =	rddreg [dreg:$0x10]  }
0x17d: {  	s4 =	rddreg [dreg:$0x1f]  }
0x17e: {  	[hbm4b:s0+s13] =	stream.strided.scatter [tilespmem:s19], [sflag:$0x3], $0x3000, s14, s13, $0x38;
	[tilespmem:$0x18100] =	vst v63  }
0x17f: {  	s5 =	sld [smem:$0x7F6]  }
0x180: {  	[hbm4b:s4+s13] =	stream.strided.scatter [tilespmem:s20], [sflag:$0x3], $0x3000, s14, s13, $0x38;
	[tilespmem:$0x18100] =	vst v63  }
0x181: {  	_ = 	snop  }
0x182: {  	[hbm4b:s5+s13] =	stream.strided.scatter [tilespmem:s21], [sflag:$0x3], $0x3000, s14, s13, $0x38;
	[tilespmem:$0x18100] =	vst v63  }
0x183: {  	s7 =	rddreg [dreg:$0x11]  }
0x184: {  	[tilespmem:s15], [sflag:$0x1] =	stream.strided.gather [hbm4b:s7+s13], $0x3000, s14, s13, $0x38;
	[tilespmem:$0x18100] =	vst v63  }
0x185: {  	_ =	swait.ge [sflag:s22], $0x3000  }
0x186: {  	[sflag:s22] =	ssyncset.done $0x0  }
0x187: {  	[sflag:s22] =	ssyncadd.s32 $0xFFFFD000  }
0x188: {  	_ =	swait.ge [sflag:s28], $0x3000  }
0x189: {  	[sflag:s28] =	ssyncset.done $0x0  }
0x18a: {  	[sflag:s28] =	ssyncadd.s32 $0xFFFFD000  }
0x18b: {  	_ =	swait.ge [sflag:s28], $0x3000  }
0x18c: {  	s8 =	simm.s32 $0x0;
	[sflag:s28] =	ssyncset.done $0x0  }
0x18d: {  	s9 =	sand.u32 $0x3000, s8;
	s10 =	sand.u32 $0xC00, s8;
	[sflag:s28] =	ssyncadd.s32 $0xFFFFD000  }
0x18e: {  	s1 =	sor.u32 s10, s9;
	s4 =	sand.u32 $0x380, s8;
	_ =	swait.ge [sflag:s28], $0x3000  }
0x18f: {  	s0 =	sand.u32 $0x70, s8;
	s1 =	sor.u32 s4, s1;
	[sflag:s28] =	ssyncset.done $0x0  }
0x190: {  	s31 =	sor.u32 s0, s1;
	[sflag:s28] =	ssyncadd.s32 $0xFFFFD000  }
0x191: {  	v3 =	vld [tilespmem:s31+$0x3100]  }
0x192: {  	s5 =	simm.s32 $0x10;
	s7 =	simm.s32 $0x80  }
0x193: {  	s4 =	simm.s32 $0x4;
	s8 =	sand.u32 $0x3000, s5;
	s1 =	sand.u32 $0xC00, s7  }
0x194: {  	s9 =	sand.u32 $0x380, s4;
	s1 =	sor.u32 s1, s8  }
0x195: {  	s0 =	sand.u32 $0x70, s5;
	s1 =	sor.u32 s9, s1  }
0x196: {  	s30 =	sor.u32 s0, s1;
	v3 =	vmul.u32 $0x3, v3  }
0x197: {  	s10 =	simm.s32 $0x20;
	s4 =	simm.s32 $0x100;
	v4 =	vld [tilespmem:s30+$0x3100]  }
0x198: {  	s5 =	sand.u32 $0x3000, s10;
	s7 =	simm.s32 $0x8;
	s1 =	sand.u32 $0xC00, s4;
	v5 =	vadd.s32 $0x2, v3  }
0x199: {  	s8 =	sand.u32 $0x380, s7;
	s1 =	sor.u32 s1, s5  }
0x19a: {  	s0 =	sand.u32 $0x70, s10;
	s1 =	sor.u32 s8, s1  }
0x19b: {  	s9 =	simm.s32 $0x30;
	s10 =	simm.s32 $0x180;
	s0 =	sor.u32 s0, s1  }
0x19c: {  	s7 =	simm.s32 $0xC;
	s5 =	sand.u32 $0x3000, s9;
	s4 =	sand.u32 $0xC00, s10;
	v7 =	vld [tilespmem:s0+$0x3100];
	v6 =	vmul.u32 $0x3, v4  }
0x19d: {  	s4 =	sor.u32 s4, s5;
	s5 =	sand.u32 $0x380, s7;
	v4 =	vadd.s32 $0x1, v3;
	v9 =	vld.idx.msk [tilespmem:v5+s18+$0x0], $0xffff  }
0x19e: {  	s3 =	sand.u32 $0x70, s9;
	s1 =	sor.u32 s5, s4;
	v8 =	vadd.s32 $0x2, v6  }
0x19f: {  	s7 =	simm.s32 $0x200;
	s1 =	sor.u32 s3, s1;
	s3 =	simm.s32 $0x40  }
0x1a0: {  	s9 =	sand.u32 $0xC00, s7;
	s4 =	simm.s32 $0x10;
	s8 =	sand.u32 $0x3000, s3;
	v11 =	vld.idx.msk [tilespmem:v3+s18+$0x0], $0xffff  }
0x1a1: {  	s10 =	sand.u32 $0x380, s4;
	s5 =	sor.u32 s9, s8;
	v10 =	vld [tilespmem:s1+$0x3100];
	v5 =	vmul.u32 $0x3, v7  }
0x1a2: {  	s3 =	sand.u32 $0x70, s3;
	s5 =	sor.u32 s10, s5;
	v3 =	vld.idx.msk [tilespmem:v4+s18+$0x0], $0xffff;
	[tilespmem:s31+$0x15100] =	vst v9;
	v9 =	vadd.s32 $0x1, v6  }
0x1a3: {  	s3 =	sor.u32 s3, s5;
	v4 =	vld.idx.msk [tilespmem:v8+s18+$0x0], $0xffff;
	v8 =	vadd.s32 $0x2, v5  }
0x1a4: {  	v7 =	vld [tilespmem:s3+$0x3100]  }
0x1a5: {  	s7 =	simm.s32 $0x280;
	s5 =	simm.s32 $0x50;
	[tilespmem:s31+$0xF100] =	vst v11;
	v6 =	vld.idx.msk [tilespmem:v6+s18+$0x0], $0xffff  }
.LBB2_12:
0x1a6: {  	s8 =	sand.u32 $0x3000, s5  }
0x1a7: {  	s9 =	sand.u32 $0xC00, s7;
	s4 =	sadd.s32 $0x4, s4;
	v11 =	vmul.u32 $0x3, v10;
	[tilespmem:s31+$0x12100] =	vst v3;
	v3 =	vld.idx.msk [tilespmem:v9+s18+$0x0], $0xffff;
	p0 =	sne.s32 s5, $0x2FF0  }
.Ltmp5:
0x1a8: {  	v9 =	vadd.s32 $0x1, v5;
	s8 =	sor.u32 s9, s8;
	s9 =	sand.u32 $0x380, s4;
	[tilespmem:s30+$0x15100] =	vst v4;
	v4 =	vld.idx.msk [tilespmem:v8+s18+$0x0], $0xffff;
	(pc) =	sbr.rel @p0 .LBB2_12-.Ltmp5, $4  }
0x1a9: {  	s10 =	sand.u32 $0x70, s5;
	s31 =	smov.u32 s30;
	s8 =	sor.u32 s9, s8;
	v8 =	vadd.s32 $0x2, v11  }
0x1aa: {  	s5 =	sadd.s32 $0x10, s5;
	s8 =	sor.u32 s10, s8;
	v10 =	vmov v7  }
0x1ab: {  	s30 =	smov.u32 s0;
	s0 =	smov.u32 s1;
	s1 =	smov.u32 s3;
	v7 =	vld [tilespmem:s8+$0x3100]  }
0x1ac: {  	s7 =	sadd.s32 $0x80, s7;
	s3 =	smov.u32 s8;
	[tilespmem:s31+$0xF100] =	vst v6;
	v6 =	vld.idx.msk [tilespmem:v5+s18+$0x0], $0xffff;
	v5 =	vmov v11  }
0x1ad: {  	_ =	sdelay $0x2  }
0x1ae: {  	v10 =	vmul.u32 $0x3, v10;
	v11 =	vadd.s32 $0x1, v5  }
0x1af: {  	v9 =	vld.idx.msk [tilespmem:v9+s18+$0x0], $0xffff  }
0x1b0: {  	v12 =	vadd.s32 $0x2, v10;
	v7 =	vmul.u32 $0x3, v7  }
0x1b1: {  	v8 =	vld.idx.msk [tilespmem:v8+s18+$0x0], $0xffff;
	v13 =	vadd.s32 $0x1, v10  }
0x1b2: {  	[tilespmem:s31+$0x12100] =	vst v3;
	v3 =	vld.idx.msk [tilespmem:v5+s18+$0x0], $0xffff;
	v5 =	vadd.s32 $0x2, v7  }
0x1b3: {  	[tilespmem:s30+$0x15100] =	vst v4;
	v4 =	vld.idx.msk [tilespmem:v11+s18+$0x0], $0xffff  }
0x1b4: {  	v11 =	vadd.s32 $0x1, v7;
	[tilespmem:s30+$0x12100] =	vst v9;
	v9 =	vld.idx.msk [tilespmem:v10+s18+$0x0], $0xffff  }
0x1b5: {  	[tilespmem:s30+$0xF100] =	vst v6;
	v6 =	vld.idx.msk [tilespmem:v12+s18+$0x0], $0xffff  }
0x1b6: {  	[tilespmem:s0+$0x15100] =	vst v8;
	v8 =	vld.idx.msk [tilespmem:v13+s18+$0x0], $0xffff  }
0x1b7: {  	[tilespmem:s0+$0xF100] =	vst v3;
	v3 =	vld.idx.msk [tilespmem:v5+s18+$0x0], $0xffff  }
0x1b8: {  	[tilespmem:s0+$0x12100] =	vst v4;
	v4 =	vld.idx.msk [tilespmem:v7+s18+$0x0], $0xffff  }
0x1b9: {  	v5 =	vld.idx.msk [tilespmem:v11+s18+$0x0], $0xffff;
	[tilespmem:s1+$0xF100] =	vst v9  }
0x1ba: {  	[tilespmem:s1+$0x15100] =	vst v6  }
0x1bb: {  	[tilespmem:s1+$0x12100] =	vst v8  }
0x1bc: {  	[tilespmem:s3+$0x15100] =	vst v3  }
0x1bd: {  	[tilespmem:s3+$0xF100] =	vst v4  }
0x1be: {  	[tilespmem:s3+$0x12100] =	vst v5  }
0x1bf: {  	s0 =	rddreg [dreg:$0x12]  }
0x1c0: {  	s4 =	sld [smem:$0x7F7]  }
0x1c1: {  	[hbm4b:s0+s13] =	stream.strided.scatter [tilespmem:s23], [sflag:$0x4], $0x3000, s14, s13, $0x38;
	[tilespmem:$0x18100] =	vst v63  }
0x1c2: {  	s5 =	sld [smem:$0x7F8]  }
0x1c3: {  	[hbm4b:s4+s13] =	stream.strided.scatter [tilespmem:s24], [sflag:$0x4], $0x3000, s14, s13, $0x38;
	[tilespmem:$0x18100] =	vst v63  }
0x1c4: {  	_ = 	snop  }
0x1c5: {  	[hbm4b:s5+s13] =	stream.strided.scatter [tilespmem:s25], [sflag:$0x4], $0x3000, s14, s13, $0x38;
	[tilespmem:$0x18100] =	vst v63  }
0x1c6: {  	s7 =	rddreg [dreg:$0x13]  }
0x1c7: {  	[tilespmem:s16], [sflag:$0x2] =	stream.strided.gather [hbm4b:s7+s13], $0x3000, s14, s13, $0x38;
	[tilespmem:$0x18100] =	vst v63  }
0x1c8: {  	_ =	swait.ge [sflag:s17], $0x3000  }
0x1c9: {  	[sflag:s17] =	ssyncset.done $0x0  }
0x1ca: {  	[sflag:s17] =	ssyncadd.s32 $0xFFFFD000  }
0x1cb: {  	_ =	swait.ge [sflag:s26], $0x3000  }
0x1cc: {  	[sflag:s26] =	ssyncset.done $0x0  }
0x1cd: {  	[sflag:s26] =	ssyncadd.s32 $0xFFFFD000  }
0x1ce: {  	_ =	swait.ge [sflag:s26], $0x3000  }
0x1cf: {  	s8 =	simm.s32 $0x0;
	[sflag:s26] =	ssyncset.done $0x0  }
0x1d0: {  	s9 =	sand.u32 $0x3000, s8;
	s10 =	sand.u32 $0xC00, s8;
	[sflag:s26] =	ssyncadd.s32 $0xFFFFD000  }
0x1d1: {  	s1 =	sor.u32 s10, s9;
	s4 =	sand.u32 $0x380, s8;
	_ =	swait.ge [sflag:s26], $0x3000  }
0x1d2: {  	s0 =	sand.u32 $0x70, s8;
	s1 =	sor.u32 s4, s1;
	[sflag:s26] =	ssyncset.done $0x0  }
0x1d3: {  	s31 =	sor.u32 s0, s1;
	[sflag:s26] =	ssyncadd.s32 $0xFFFFD000  }
0x1d4: {  	v3 =	vld [tilespmem:s31+$0x100]  }
0x1d5: {  	s5 =	simm.s32 $0x10;
	s7 =	simm.s32 $0x80  }
0x1d6: {  	s4 =	simm.s32 $0x4;
	s8 =	sand.u32 $0x3000, s5;
	s1 =	sand.u32 $0xC00, s7  }
0x1d7: {  	s9 =	sand.u32 $0x380, s4;
	s1 =	sor.u32 s1, s8  }
0x1d8: {  	s0 =	sand.u32 $0x70, s5;
	s1 =	sor.u32 s9, s1  }
0x1d9: {  	s30 =	sor.u32 s0, s1;
	v3 =	vmul.u32 $0x3, v3  }
0x1da: {  	s10 =	simm.s32 $0x20;
	s4 =	simm.s32 $0x100;
	v4 =	vld [tilespmem:s30+$0x100]  }
0x1db: {  	s5 =	sand.u32 $0x3000, s10;
	s7 =	simm.s32 $0x8;
	s1 =	sand.u32 $0xC00, s4;
	v5 =	vadd.s32 $0x2, v3  }
0x1dc: {  	s8 =	sand.u32 $0x380, s7;
	s1 =	sor.u32 s1, s5  }
0x1dd: {  	s0 =	sand.u32 $0x70, s10;
	s1 =	sor.u32 s8, s1  }
0x1de: {  	s9 =	simm.s32 $0x30;
	s10 =	simm.s32 $0x180;
	s0 =	sor.u32 s0, s1  }
0x1df: {  	s7 =	simm.s32 $0xC;
	s5 =	sand.u32 $0x3000, s9;
	s4 =	sand.u32 $0xC00, s10;
	v7 =	vld [tilespmem:s0+$0x100];
	v6 =	vmul.u32 $0x3, v4  }
0x1e0: {  	s4 =	sor.u32 s4, s5;
	s5 =	sand.u32 $0x380, s7;
	v4 =	vadd.s32 $0x1, v3;
	v9 =	vld.idx.msk [tilespmem:v5+s18+$0x0], $0xffff  }
0x1e1: {  	s3 =	sand.u32 $0x70, s9;
	s1 =	sor.u32 s5, s4;
	v8 =	vadd.s32 $0x2, v6  }
0x1e2: {  	s7 =	simm.s32 $0x200;
	s1 =	sor.u32 s3, s1;
	s3 =	simm.s32 $0x40  }
0x1e3: {  	s9 =	sand.u32 $0xC00, s7;
	s4 =	simm.s32 $0x10;
	s8 =	sand.u32 $0x3000, s3;
	v11 =	vld.idx.msk [tilespmem:v3+s18+$0x0], $0xffff  }
0x1e4: {  	s10 =	sand.u32 $0x380, s4;
	s5 =	sor.u32 s9, s8;
	v10 =	vld [tilespmem:s1+$0x100];
	v5 =	vmul.u32 $0x3, v7  }
0x1e5: {  	s3 =	sand.u32 $0x70, s3;
	s5 =	sor.u32 s10, s5;
	v3 =	vld.idx.msk [tilespmem:v4+s18+$0x0], $0xffff;
	[tilespmem:s31+$0xC100] =	vst v9;
	v9 =	vadd.s32 $0x1, v6  }
0x1e6: {  	s3 =	sor.u32 s3, s5;
	v4 =	vld.idx.msk [tilespmem:v8+s18+$0x0], $0xffff;
	v8 =	vadd.s32 $0x2, v5  }
0x1e7: {  	v7 =	vld [tilespmem:s3+$0x100]  }
0x1e8: {  	s7 =	simm.s32 $0x280;
	s5 =	simm.s32 $0x50;
	[tilespmem:s31+$0x6100] =	vst v11;
	v6 =	vld.idx.msk [tilespmem:v6+s18+$0x0], $0xffff  }
.LBB2_14:
0x1e9: {  	s8 =	sand.u32 $0x3000, s5  }
0x1ea: {  	s9 =	sand.u32 $0xC00, s7;
	s4 =	sadd.s32 $0x4, s4;
	v11 =	vmul.u32 $0x3, v10;
	[tilespmem:s31+$0x9100] =	vst v3;
	v3 =	vld.idx.msk [tilespmem:v9+s18+$0x0], $0xffff;
	p0 =	sne.s32 s5, $0x2FF0  }
.Ltmp6:
0x1eb: {  	v9 =	vadd.s32 $0x1, v5;
	s8 =	sor.u32 s9, s8;
	s9 =	sand.u32 $0x380, s4;
	[tilespmem:s30+$0xC100] =	vst v4;
	v4 =	vld.idx.msk [tilespmem:v8+s18+$0x0], $0xffff;
	(pc) =	sbr.rel @p0 .LBB2_14-.Ltmp6, $4  }
0x1ec: {  	s10 =	sand.u32 $0x70, s5;
	s31 =	smov.u32 s30;
	s8 =	sor.u32 s9, s8;
	v8 =	vadd.s32 $0x2, v11  }
0x1ed: {  	s5 =	sadd.s32 $0x10, s5;
	s8 =	sor.u32 s10, s8;
	v10 =	vmov v7  }
0x1ee: {  	s30 =	smov.u32 s0;
	s0 =	smov.u32 s1;
	s1 =	smov.u32 s3;
	v7 =	vld [tilespmem:s8+$0x100]  }
0x1ef: {  	s7 =	sadd.s32 $0x80, s7;
	s3 =	smov.u32 s8;
	[tilespmem:s31+$0x6100] =	vst v6;
	v6 =	vld.idx.msk [tilespmem:v5+s18+$0x0], $0xffff;
	v5 =	vmov v11  }
0x1f0: {  	_ =	sdelay $0x2  }
0x1f1: {  	v10 =	vmul.u32 $0x3, v10;
	v11 =	vadd.s32 $0x1, v5  }
0x1f2: {  	v9 =	vld.idx.msk [tilespmem:v9+s18+$0x0], $0xffff  }
0x1f3: {  	v12 =	vadd.s32 $0x2, v10;
	v7 =	vmul.u32 $0x3, v7  }
0x1f4: {  	v8 =	vld.idx.msk [tilespmem:v8+s18+$0x0], $0xffff;
	v13 =	vadd.s32 $0x1, v10  }
0x1f5: {  	[tilespmem:s31+$0x9100] =	vst v3;
	v3 =	vld.idx.msk [tilespmem:v5+s18+$0x0], $0xffff;
	v5 =	vadd.s32 $0x2, v7  }
0x1f6: {  	[tilespmem:s30+$0xC100] =	vst v4;
	v4 =	vld.idx.msk [tilespmem:v11+s18+$0x0], $0xffff  }
0x1f7: {  	v11 =	vadd.s32 $0x1, v7;
	[tilespmem:s30+$0x9100] =	vst v9;
	v9 =	vld.idx.msk [tilespmem:v10+s18+$0x0], $0xffff  }
0x1f8: {  	[tilespmem:s30+$0x6100] =	vst v6;
	v6 =	vld.idx.msk [tilespmem:v12+s18+$0x0], $0xffff  }
0x1f9: {  	[tilespmem:s0+$0xC100] =	vst v8;
	v8 =	vld.idx.msk [tilespmem:v13+s18+$0x0], $0xffff  }
0x1fa: {  	[tilespmem:s0+$0x6100] =	vst v3;
	v3 =	vld.idx.msk [tilespmem:v5+s18+$0x0], $0xffff  }
0x1fb: {  	[tilespmem:s0+$0x9100] =	vst v4;
	v4 =	vld.idx.msk [tilespmem:v7+s18+$0x0], $0xffff  }
0x1fc: {  	v5 =	vld.idx.msk [tilespmem:v11+s18+$0x0], $0xffff;
	[tilespmem:s1+$0x6100] =	vst v9  }
0x1fd: {  	[tilespmem:s1+$0xC100] =	vst v6  }
0x1fe: {  	[tilespmem:s1+$0x9100] =	vst v8  }
0x1ff: {  	[tilespmem:s3+$0xC100] =	vst v3  }
0x200: {  	[tilespmem:s3+$0x6100] =	vst v4  }
0x201: {  	[tilespmem:s3+$0x9100] =	vst v5  }
0x202: {  	s0 =	rddreg [dreg:$0x14]  }
0x203: {  	s5 =	sld [smem:$0x7F9]  }
0x204: {  	[hbm4b:s0+s13] =	stream.strided.scatter [tilespmem:s19], [sflag:$0x3], $0x3000, s14, s13, $0x38;
	[tilespmem:$0x18100] =	vst v63  }
0x205: {  	s7 =	sld [smem:$0x7FA]  }
0x206: {  	[hbm4b:s5+s13] =	stream.strided.scatter [tilespmem:s20], [sflag:$0x3], $0x3000, s14, s13, $0x38;
	[tilespmem:$0x18100] =	vst v63  }
0x207: {  	_ = 	snop  }
0x208: {  	[hbm4b:s7+s13] =	stream.strided.scatter [tilespmem:s21], [sflag:$0x3], $0x3000, s14, s13, $0x38;
	[tilespmem:$0x18100] =	vst v63  }
0x209: {  	s8 =	simm.s32 $0x0;
	s1 =	rddreg [dreg:$0x15]  }
0x20a: {  	[tilespmem:s15], [sflag:$0x1] =	stream.linear.gather [hbm4b:s1+s8], $0x1000, $0x38;
	[tilespmem:$0x18100] =	vst v63  }
0x20b: {  	_ =	swait.ge [sflag:s22], $0x3000  }
0x20c: {  	[sflag:s22] =	ssyncset.done $0x0  }
0x20d: {  	[sflag:s22] =	ssyncadd.s32 $0xFFFFD000  }
0x20e: {  	_ =	swait.ge [sflag:s28], $0x3000  }
0x20f: {  	[sflag:s28] =	ssyncset.done $0x0  }
0x210: {  	[sflag:s28] =	ssyncadd.s32 $0xFFFFD000  }
0x211: {  	_ =	swait.ge [sflag:s28], $0x3000  }
0x212: {  	[sflag:s28] =	ssyncset.done $0x0  }
0x213: {  	s9 =	sand.u32 $0x3000, s8;
	s10 =	sand.u32 $0xC00, s8;
	[sflag:s28] =	ssyncadd.s32 $0xFFFFD000  }
0x214: {  	s4 =	sand.u32 $0x380, s8;
	s1 =	sor.u32 s10, s9;
	_ =	swait.ge [sflag:s28], $0x3000  }
0x215: {  	s0 =	sand.u32 $0x70, s8;
	s1 =	sor.u32 s4, s1;
	[sflag:s28] =	ssyncset.done $0x0  }
0x216: {  	s31 =	sor.u32 s0, s1;
	[sflag:s28] =	ssyncadd.s32 $0xFFFFD000  }
0x217: {  	v3 =	vld [tilespmem:s31+$0x3100]  }
0x218: {  	s5 =	simm.s32 $0x10;
	s7 =	simm.s32 $0x80  }
0x219: {  	s8 =	sand.u32 $0x3000, s5;
	s4 =	simm.s32 $0x4;
	s1 =	sand.u32 $0xC00, s7  }
0x21a: {  	s9 =	sand.u32 $0x380, s4;
	s1 =	sor.u32 s1, s8  }
0x21b: {  	s0 =	sand.u32 $0x70, s5;
	s1 =	sor.u32 s9, s1  }
0x21c: {  	s30 =	sor.u32 s0, s1;
	v3 =	vmul.u32 $0x3, v3  }
0x21d: {  	s10 =	simm.s32 $0x20;
	s4 =	simm.s32 $0x100;
	v4 =	vld [tilespmem:s30+$0x3100]  }
0x21e: {  	s5 =	sand.u32 $0x3000, s10;
	s7 =	simm.s32 $0x8;
	s1 =	sand.u32 $0xC00, s4;
	v5 =	vadd.s32 $0x2, v3  }
0x21f: {  	s8 =	sand.u32 $0x380, s7;
	s1 =	sor.u32 s1, s5  }
0x220: {  	s0 =	sand.u32 $0x70, s10;
	s1 =	sor.u32 s8, s1  }
0x221: {  	s9 =	simm.s32 $0x30;
	s10 =	simm.s32 $0x180;
	s0 =	sor.u32 s0, s1  }
0x222: {  	s7 =	simm.s32 $0xC;
	s5 =	sand.u32 $0x3000, s9;
	s4 =	sand.u32 $0xC00, s10;
	v7 =	vld [tilespmem:s0+$0x3100];
	v6 =	vmul.u32 $0x3, v4  }
0x223: {  	s4 =	sor.u32 s4, s5;
	s5 =	sand.u32 $0x380, s7;
	v4 =	vadd.s32 $0x1, v3;
	v9 =	vld.idx.msk [tilespmem:v5+s18+$0x0], $0xffff  }
0x224: {  	s3 =	sand.u32 $0x70, s9;
	s1 =	sor.u32 s5, s4;
	v8 =	vadd.s32 $0x2, v6  }
0x225: {  	s7 =	simm.s32 $0x200;
	s1 =	sor.u32 s3, s1;
	s3 =	simm.s32 $0x40  }
0x226: {  	s9 =	sand.u32 $0xC00, s7;
	s4 =	simm.s32 $0x10;
	s8 =	sand.u32 $0x3000, s3;
	v11 =	vld.idx.msk [tilespmem:v3+s18+$0x0], $0xffff  }
0x227: {  	s10 =	sand.u32 $0x380, s4;
	s5 =	sor.u32 s9, s8;
	v10 =	vld [tilespmem:s1+$0x3100];
	v5 =	vmul.u32 $0x3, v7  }
0x228: {  	s3 =	sand.u32 $0x70, s3;
	s5 =	sor.u32 s10, s5;
	v3 =	vld.idx.msk [tilespmem:v4+s18+$0x0], $0xffff;
	[tilespmem:s31+$0x15100] =	vst v9;
	v9 =	vadd.s32 $0x1, v6  }
0x229: {  	s3 =	sor.u32 s3, s5;
	v4 =	vld.idx.msk [tilespmem:v8+s18+$0x0], $0xffff;
	v8 =	vadd.s32 $0x2, v5  }
0x22a: {  	v7 =	vld [tilespmem:s3+$0x3100]  }
0x22b: {  	s7 =	simm.s32 $0x280;
	s5 =	simm.s32 $0x50;
	[tilespmem:s31+$0xF100] =	vst v11;
	v6 =	vld.idx.msk [tilespmem:v6+s18+$0x0], $0xffff  }
.LBB2_16:
0x22c: {  	s8 =	sand.u32 $0x3000, s5  }
0x22d: {  	s9 =	sand.u32 $0xC00, s7;
	s4 =	sadd.s32 $0x4, s4;
	v11 =	vmul.u32 $0x3, v10;
	[tilespmem:s31+$0x12100] =	vst v3;
	v3 =	vld.idx.msk [tilespmem:v9+s18+$0x0], $0xffff;
	p0 =	sne.s32 s5, $0x2FF0  }
.Ltmp7:
0x22e: {  	v9 =	vadd.s32 $0x1, v5;
	s8 =	sor.u32 s9, s8;
	s9 =	sand.u32 $0x380, s4;
	[tilespmem:s30+$0x15100] =	vst v4;
	v4 =	vld.idx.msk [tilespmem:v8+s18+$0x0], $0xffff;
	(pc) =	sbr.rel @p0 .LBB2_16-.Ltmp7, $4  }
0x22f: {  	s10 =	sand.u32 $0x70, s5;
	s31 =	smov.u32 s30;
	s8 =	sor.u32 s9, s8;
	v8 =	vadd.s32 $0x2, v11  }
0x230: {  	s5 =	sadd.s32 $0x10, s5;
	s8 =	sor.u32 s10, s8;
	v10 =	vmov v7  }
0x231: {  	s30 =	smov.u32 s0;
	s0 =	smov.u32 s1;
	s1 =	smov.u32 s3;
	v7 =	vld [tilespmem:s8+$0x3100]  }
0x232: {  	s7 =	sadd.s32 $0x80, s7;
	s3 =	smov.u32 s8;
	[tilespmem:s31+$0xF100] =	vst v6;
	v6 =	vld.idx.msk [tilespmem:v5+s18+$0x0], $0xffff;
	v5 =	vmov v11  }
0x233: {  	_ =	sdelay $0x2  }
0x234: {  	v10 =	vmul.u32 $0x3, v10;
	v11 =	vadd.s32 $0x1, v5  }
0x235: {  	v9 =	vld.idx.msk [tilespmem:v9+s18+$0x0], $0xffff  }
0x236: {  	v12 =	vadd.s32 $0x2, v10;
	v7 =	vmul.u32 $0x3, v7  }
0x237: {  	v8 =	vld.idx.msk [tilespmem:v8+s18+$0x0], $0xffff;
	v13 =	vadd.s32 $0x1, v10  }
0x238: {  	[tilespmem:s31+$0x12100] =	vst v3;
	v3 =	vld.idx.msk [tilespmem:v5+s18+$0x0], $0xffff;
	v5 =	vadd.s32 $0x2, v7  }
0x239: {  	[tilespmem:s30+$0x15100] =	vst v4;
	v4 =	vld.idx.msk [tilespmem:v11+s18+$0x0], $0xffff  }
0x23a: {  	v11 =	vadd.s32 $0x1, v7;
	[tilespmem:s30+$0x12100] =	vst v9;
	v9 =	vld.idx.msk [tilespmem:v10+s18+$0x0], $0xffff  }
0x23b: {  	[tilespmem:s30+$0xF100] =	vst v6;
	v6 =	vld.idx.msk [tilespmem:v12+s18+$0x0], $0xffff  }
0x23c: {  	[tilespmem:s0+$0x15100] =	vst v8;
	v8 =	vld.idx.msk [tilespmem:v13+s18+$0x0], $0xffff  }
0x23d: {  	[tilespmem:s0+$0xF100] =	vst v3;
	v3 =	vld.idx.msk [tilespmem:v5+s18+$0x0], $0xffff  }
0x23e: {  	[tilespmem:s0+$0x12100] =	vst v4;
	v4 =	vld.idx.msk [tilespmem:v7+s18+$0x0], $0xffff  }
0x23f: {  	v5 =	vld.idx.msk [tilespmem:v11+s18+$0x0], $0xffff;
	[tilespmem:s1+$0xF100] =	vst v9  }
0x240: {  	[tilespmem:s1+$0x15100] =	vst v6  }
0x241: {  	[tilespmem:s1+$0x12100] =	vst v8  }
0x242: {  	[tilespmem:s3+$0x15100] =	vst v3  }
0x243: {  	[tilespmem:s3+$0xF100] =	vst v4  }
0x244: {  	[tilespmem:s3+$0x12100] =	vst v5  }
0x245: {  	s0 =	rddreg [dreg:$0x16]  }
0x246: {  	s5 =	sld [smem:$0x7FB]  }
0x247: {  	[hbm4b:s0+s13] =	stream.strided.scatter [tilespmem:s23], [sflag:$0x4], $0x3000, s14, s13, $0x38;
	[tilespmem:$0x18100] =	vst v63  }
0x248: {  	s7 =	sld [smem:$0x7FC]  }
0x249: {  	[hbm4b:s5+s13] =	stream.strided.scatter [tilespmem:s24], [sflag:$0x4], $0x3000, s14, s13, $0x38;
	[tilespmem:$0x18100] =	vst v63  }
0x24a: {  	_ = 	snop  }
0x24b: {  	[hbm4b:s7+s13] =	stream.strided.scatter [tilespmem:s25], [sflag:$0x4], $0x3000, s14, s13, $0x38;
	[tilespmem:$0x18100] =	vst v63  }
0x24c: {  	_ =	swait.ge [sflag:s17], $0x1000  }
0x24d: {  	[sflag:s17] =	ssyncset.done $0x0  }
0x24e: {  	[sflag:s17] =	ssyncadd.s32 $0xFFFFF000  }
0x24f: {  	_ =	swait.ge [sflag:s26], $0x3000  }
0x250: {  	[sflag:s26] =	ssyncset.done $0x0  }
0x251: {  	[sflag:s26] =	ssyncadd.s32 $0xFFFFD000  }
0x252: {  	_ =	swait.ge [sflag:s26], $0x3000  }
0x253: {  	[sflag:s26] =	ssyncset.done $0x0  }
0x254: {  	s8 =	simm.s32 $0x0;
	[sflag:s26] =	ssyncadd.s32 $0xFFFFD000  }
0x255: {  	s9 =	sand.u32 $0xC00, s8;
	s10 =	sand.u32 $0x380, s8;
	_ =	swait.ge [sflag:s26], $0x3000  }
0x256: {  	s1 =	sor.u32 s10, s9;
	s0 =	sand.u32 $0x70, s8;
	[sflag:s26] =	ssyncset.done $0x0  }
0x257: {  	s0 =	sor.u32 s0, s1;
	[sflag:s26] =	ssyncadd.s32 $0xFFFFD000  }
0x258: {  	v3 =	vld [tilespmem:s0+$0x100]  }
0x259: {  	s31 =	simm.s32 $0x4;
	s5 =	simm.s32 $0x80  }
0x25a: {  	s4 =	simm.s32 $0x10;
	s1 =	sand.u32 $0x380, s31;
	s3 =	sand.u32 $0xC00, s5  }
0x25b: {  	s4 =	sand.u32 $0x70, s4;
	s1 =	sor.u32 s1, s3  }
0x25c: {  	s30 =	sor.u32 s4, s1  }
0x25d: {  	v5 =	vld [tilespmem:s30+$0x100];
	v4 =	vmul.u32 $0x3, v3  }
0x25e: {  	s8 =	simm.s32 $0x100;
	s7 =	simm.s32 $0x8  }
0x25f: {  	s9 =	simm.s32 $0x20;
	s3 =	sand.u32 $0xC00, s8;
	s1 =	sand.u32 $0x380, s7;
	v3 =	vadd.s32 $0x2, v4  }
0x260: {  	s4 =	sand.u32 $0x70, s9;
	s1 =	sor.u32 s1, s3  }
0x261: {  	s10 =	simm.s32 $0xC;
	s31 =	simm.s32 $0x180;
	s1 =	sor.u32 s4, s1  }
0x262: {  	s5 =	simm.s32 $0x30;
	s3 =	sand.u32 $0x380, s10;
	s4 =	sand.u32 $0xC00, s31;
	v6 =	vld [tilespmem:s1+$0x100];
	v5 =	vmul.u32 $0x3, v5;
	v10 =	vadd.s32 $0x1, v4  }
0x263: {  	s5 =	sand.u32 $0x70, s5;
	s3 =	sor.u32 s3, s4  }
0x264: {  	s3 =	sor.u32 s5, s3;
	v9 =	vadd.s32 $0x2, v5;
	v3 =	vld.idx.msk [tilespmem:v3+s18+$0x0], $0xffff  }
0x265: {  	v8 =	vld [tilespmem:s3+$0x100]  }
0x266: {  	v4 =	vld.idx.msk [tilespmem:v4+s18+$0x0], $0xffff  }
0x267: {  	s7 =	simm.s32 $0x200;
	s4 =	simm.s32 $0x40;
	s5 =	simm.s32 $0x10;
	v7 =	vmul.u32 $0x3, v6;
	v6 =	vld.idx.msk [tilespmem:v10+s18+$0x0], $0xffff  }
.LBB2_18:
0x268: {  	s8 =	sand.u32 $0xC00, s7  }
0x269: {  	s9 =	sand.u32 $0x380, s5;
	v10 =	vadd.s32 $0x1, v5;
	[tilespmem:s0+$0xC100] =	vst v3;
	v3 =	vld.idx.msk [tilespmem:v9+s18+$0x0], $0xffff;
	s10 =	smov.u32 s30;
	p0 =	sne.s32 s4, $0xFF0  }
.Ltmp8:
0x26a: {  	s31 =	sand.u32 $0x70, s4;
	s8 =	sor.u32 s9, s8;
	v9 =	vadd.s32 $0x2, v7;
	(pc) =	sbr.rel @p0 .LBB2_18-.Ltmp8, $4  }
0x26b: {  	s30 =	smov.u32 s1;
	s1 =	smov.u32 s3;
	v11 =	vmov v8;
	s3 =	sor.u32 s31, s8  }
0x26c: {  	s4 =	sadd.s32 $0x10, s4;
	v8 =	vld [tilespmem:s3+$0x100]  }
0x26d: {  	[tilespmem:s0+$0x6100] =	vst v4;
	v4 =	vld.idx.msk [tilespmem:v5+s18+$0x0], $0xffff;
	v5 =	vmov v7  }
0x26e: {  	s5 =	sadd.s32 $0x4, s5;
	s7 =	sadd.s32 $0x80, s7;
	v7 =	vmul.u32 $0x3, v11;
	[tilespmem:s0+$0x9100] =	vst v6;
	v6 =	vld.idx.msk [tilespmem:v10+s18+$0x0], $0xffff;
	s0 =	smov.u32 s10  }
0x26f: {  	_ =	sdelay $0x1  }
0x270: {  	v10 =	vadd.s32 $0x1, v5  }
0x271: {  	v11 =	vadd.s32 $0x2, v7;
	v8 =	vmul.u32 $0x3, v8  }
0x272: {  	v9 =	vld.idx.msk [tilespmem:v9+s18+$0x0], $0xffff;
	v12 =	vadd.s32 $0x1, v7  }
0x273: {  	v57 =	vld.idx.msk [tilespmem:v5+s18+$0x0], $0xffff;
	v13 =	vadd.s32 $0x2, v8  }
0x274: {  	[tilespmem:s0+$0xC100] =	vst v3;
	v60 =	vld.idx.msk [tilespmem:v7+s18+$0x0], $0xffff;
	v59 =	vadd.s32 $0x1, v8  }
0x275: {  	[tilespmem:s0+$0x6100] =	vst v4;
	v3 =	vld.idx.msk [tilespmem:v10+s18+$0x0], $0xffff  }
0x276: {  	[tilespmem:s0+$0x9100] =	vst v6;
	v58 =	vld.idx.msk [tilespmem:v11+s18+$0x0], $0xffff  }
0x277: {  	[tilespmem:s30+$0xC100] =	vst v9;
	v61 =	vld.idx.msk [tilespmem:v12+s18+$0x0], $0xffff  }
0x278: {  	[tilespmem:s30+$0x6100] =	vst v57;
	v62 =	vld.idx.msk [tilespmem:v13+s18+$0x0], $0xffff  }
0x279: {  	[tilespmem:s1+$0x6100] =	vst v60;
	v63 =	vld.idx.msk [tilespmem:v59+s18+$0x0], $0xffff  }
0x27a: {  	[tilespmem:s30+$0x9100] =	vst v3;
	v3 =	vld.idx.msk [tilespmem:v8+s18+$0x0], $0xffff  }
0x27b: {  	[tilespmem:s1+$0xC100] =	vst v58  }
0x27c: {  	[tilespmem:s1+$0x9100] =	vst v61  }
0x27d: {  	[tilespmem:s3+$0xC100] =	vst v62  }
0x27e: {  	[tilespmem:s3+$0x9100] =	vst v63  }
0x27f: {  	[tilespmem:s3+$0x6100] =	vst v3  }
0x280: {  	s0 =	rddreg [dreg:$0x17]  }
0x281: {  	s30 =	sld [smem:$0x7FD]  }
0x282: {  	[hbm4b:s0+s2] =	stream.linear.scatter [tilespmem:s19], [sflag:$0x3], $0x1000, $0x38;
	[tilespmem:$0x18100] =	vst v63  }
0x283: {  	_ = 	snop  }
0x284: {  	[hbm4b:s30+s2] =	stream.linear.scatter [tilespmem:s20], [sflag:$0x3], $0x1000, $0x38;
	[tilespmem:$0x18100] =	vst v63  }
0x285: {  	_ = 	snop  }
0x286: {  	[hbm4b:s11+s2] =	stream.linear.scatter [tilespmem:s21], [sflag:$0x3], $0x1000, $0x38;
	[tilespmem:$0x18100] =	vst v63  }
0x287: {  	_ =	swait.ge [sflag:s26], $0x1000  }
0x288: {  	[sflag:s26] =	ssyncset.done $0x0  }
0x289: {  	[sflag:s26] =	ssyncadd.s32 $0xFFFFF000  }
0x28a: {  	_ =	swait.ge [sflag:s26], $0x1000  }
0x28b: {  	[sflag:s26] =	ssyncset.done $0x0  }
0x28c: {  	[sflag:s26] =	ssyncadd.s32 $0xFFFFF000  }
0x28d: {  	_ =	swait.ge [sflag:s26], $0x1000  }
0x28e: {  	[sflag:s26] =	ssyncset.done $0x0  }
0x28f: {  	[sflag:s26] =	ssyncadd.s32 $0xFFFFF000  }
0x290: {  	_ =	swait.ge [sflag:s28], $0x3000  }
0x291: {  	[sflag:s28] =	ssyncset.done $0x0  }
0x292: {  	[sflag:s28] =	ssyncadd.s32 $0xFFFFD000  }
0x293: {  	_ =	swait.ge [sflag:s28], $0x3000  }
0x294: {  	[sflag:s28] =	ssyncset.done $0x0  }
0x295: {  	[sflag:s28] =	ssyncadd.s32 $0xFFFFD000  }
0x296: {  	_ =	swait.ge [sflag:s28], $0x3000  }
0x297: {  	s29 =	sadd.s32 $0x1, s29;
	s31 =	rddreg [dreg:$0x19]  }
0x298: {  	p0 =	sne.s32 s29, s31  }
.Ltmp9:
0x299: {  	_ = 	snop;
	(pc) =	sbr.rel @p0 .LBB2_1-.Ltmp9, $3  }
0x29a: {  	_ =	sdelay $0x1  }
0x29b: {  	[sflag:s28] =	ssyncset.done $0x0  }
0x29c: {  	[sflag:s28] =	ssyncadd.s32 $0xFFFFD000  }
0x29d: {  	_ =	sfence.sel $0x180000  }
0x29e: {  	[bflag:$0x0] =	sbarrier.arrive $0xFFFF  }
0x29f: {  	_ =	strace $0x90000047  }
0x2a0: {  	s0 =	stileid.u32;
	[bflag:$0x2] =	sbarrier.arrive $0xFFFF  }
0x2a1: {  	p0 =	sne.s32 s0, $0x0;
	s0 =	rddreg [dreg:$0x3]  }
0x2a2: {  	s0 =	sadd.s32 @!p0 $0x100000, s0  }
0x2a3: {  	[sflag:s0] =	ssyncadd.tile.s32 @!p0 $0x1;
	_ =	shalt  }
.Lfunc_end2:
_tile_overlayer_lowered:
.L_overlay_start_2:
0x2a4: {  	(tag) =	ssettag $0x2  }
0x2a5: {  	s0 =	rddreg [dreg:$0x0];
	s2 =	stileid.u32  }
0x2a6: {  	s1 =	rddreg [dreg:$0x1];
	p0 =	sne.s32 s2, $0x0  }
0x2a7: {  	s3 =	rddreg [dreg:$0x2];
	[bflag:$0x3] =	sbarrier.arrive $0xFFFF;
	s2 =	simm.s32 @!p0 $0x1C05  }
0x2a8: {  	[timem:s3], [sflag:s2] =	dma.local @!p0 [hbm:s0], s1  }
0x2a9: {  	s0 =	simm.s32 @!p0 $0x5  }
0x2aa: {  	_ =	swait.ge @!p0 [sflag:s0], s1  }
0x2ab: {  	s1 =	ssub.s32 @!p0 $0x0, s1;
	[sflag:s0] =	ssyncset.done @!p0 $0x0  }
0x2ac: {  	[sflag:s0] =	ssyncadd.s32 @!p0 s1  }
0x2ad: {  	[bflag:$0x3] =	sbarrier.arrive $0xFFFF  }
0x2ae: {  	_ =	shalt  }

</sc_bundles>
